<compile_context>
chip_gen: v7x
topology: tpu7x:2x2x1
jax: 0.10.2.dev20260603
libtpu: 0.0.44.dev20260713+nightly
codegen_flags: <defaults>
</compile_context>

<pallas_src>
import jax
import jax.numpy as jnp
from jax import lax
from jax.experimental import pallas as pl
from jax.experimental.pallas import tpu as pltpu
from jax.experimental.pallas import tpu_sc as plsc

B, F, D = 16384, 100, 64
NC, NS, L = 2, 16, 16
NW = NC * NS
BPW = B // NW
CBB = 4
XW = CBB * F


def _sc_body(x_hbm, emb_hbm, w_hbm, bias_hbm, out_hbm,
             basebuf, wvbuf, biasbuf,
             xb0, xb1, ob0, ob1,
             sx0, sx1, so0, so1):
    wid = lax.axis_index("s") * NC + lax.axis_index("c")
    x0 = wid * (BPW * F)
    b0 = wid * BPW

    pltpu.sync_copy(emb_hbm, basebuf)
    pltpu.sync_copy(w_hbm, wvbuf)
    pltpu.sync_copy(bias_hbm, biasbuf)

    bias_regs = [biasbuf[pl.ds(dc * L, L)] for dc in range(4)]
    wv_regs = [wvbuf[pl.ds(dc * L, L)] for dc in range(4)]

    @plsc.parallel_loop(0, F)
    def _fold(f):
        for dc in range(4):
            o = f * D + dc * L
            basebuf[pl.ds(o, L)] = basebuf[pl.ds(o, L)] + bias_regs[dc]

    xbufs = (xb0, xb1)
    obufs = (ob0, ob1)
    sxs = (sx0, sx1)
    sos = (so0, so1)

    pltpu.async_copy(x_hbm.at[pl.ds(x0, XW)], xb0.at[pl.ds(8, XW)], sx0)
    pltpu.async_copy(
        x_hbm.at[pl.ds(x0 + XW, XW)], xb1.at[pl.ds(8, XW)], sx1)

    @pl.loop(0, BPW, step=2 * CBB)
    def _pair(j):
        for k in range(2):
            n0 = j + k * CBB
            xb, sx = xbufs[k], sxs[k]
            ob, so = obufs[k], sos[k]
            pltpu.make_async_copy(
                x_hbm.at[pl.ds(x0, XW)], xb.at[pl.ds(8, XW)], sx).wait()

            @pl.when(n0 >= 2 * CBB)
            def _():
                pltpu.make_async_copy(
                    ob, out_hbm.at[pl.ds(b0, CBB)], so).wait()

            @plsc.parallel_loop(0, F, unroll=2)
            def _row(f):
                base_f = [basebuf[pl.ds(f * D + dc * L, L)]
                          for dc in range(4)]
                for bi in range(CBB):
                    xs = plsc.load_gather(
                        xb, [jnp.full((L,), 8 + bi * F + f, jnp.int32)])
                    sub = ob.at[bi]
                    for dc in range(4):
                        sub[f, pl.ds(dc * L, L)] = (
                            xs * wv_regs[dc] + base_f[dc])

            pltpu.async_copy(ob, out_hbm.at[pl.ds(b0 + n0, CBB)], so)

            @pl.when(n0 + 2 * CBB < BPW)
            def _():
                pltpu.async_copy(
                    x_hbm.at[pl.ds(x0 + (n0 + 2 * CBB) * F, XW)],
                    xb.at[pl.ds(8, XW)], sx)

    for k in range(2):
        pltpu.make_async_copy(
            obufs[k], out_hbm.at[pl.ds(b0, CBB)], sos[k]).wait()


@jax.jit
def kernel(x, emb_table, W, b):
    mesh = plsc.VectorSubcoreMesh(
        core_axis_name="c", subcore_axis_name="s",
        num_cores=NC, num_subcores=NS)
    return pl.kernel(
        _sc_body,
        out_type=jax.ShapeDtypeStruct((B, F, D), jnp.float32),
        mesh=mesh,
        scratch_types=(
            [
                pltpu.VMEM((F * D,), jnp.float32),
                pltpu.VMEM((D,), jnp.float32),
                pltpu.VMEM((D,), jnp.float32),
            ]
            + [pltpu.VMEM((8 + XW,), jnp.float32) for _ in range(2)]
            + [pltpu.VMEM((CBB, F, D), jnp.float32) for _ in range(2)]
            + [pltpu.SemaphoreType.DMA for _ in range(4)]
        ),
        compiler_params=pltpu.CompilerParams(needs_layout_passes=False),
    )(x.reshape(-1), emb_table.reshape(-1), W.reshape(-1), b)

# --- scband reference (transcript-rebuilt; emitter-appended) ---
"""Pipeline reference for scband-feature-embedding-5085241279241 (READ-ONLY COPY).

The authoritative reference and input builder live on the scoring server;
editing this copy changes nothing except your own understanding.
"""

import jax, jax.numpy as jnp
import numpy as np

NUM_FEATURES = 100
D_MODEL = 64
B = 16384

def setup_inputs(seed: int = 0) -> dict:
    key = jax.random.key(seed)
    k1, k2, k3, k4 = jax.random.split(key, 4)
    x = jax.random.normal(k1, (B, NUM_FEATURES), dtype=jnp.float32)
    # nn.Embedding weight: [num_features, d_model]
    emb_table = jax.random.normal(k2, (NUM_FEATURES, D_MODEL), dtype=jnp.float32)
    # nn.Linear(1, d_model): weight [d_model, 1], bias [d_model]
    W = jax.random.normal(k3, (D_MODEL, 1), dtype=jnp.float32)
    b = jax.random.normal(k4, (D_MODEL,), dtype=jnp.float32)
    return {"x": x, "emb_table": emb_table, "W": W, "b": b}

def reference(x, emb_table, W, b):
    Bv, F = x.shape
    ids = jnp.arange(F, dtype=jnp.int32)            # [F]
    id_emb = jnp.take(emb_table, ids, axis=0)       # [F, d_model] gather
    id_emb = jnp.broadcast_to(id_emb[None, :, :], (Bv, F, id_emb.shape[-1]))  # repeat over batch
    # Linear(1, d_model): x.unsqueeze(-1) @ W.T + b
    val_emb = x[..., None] * W[:, 0][None, None, :] + b[None, None, :]  # [B, F, d_model]
    return id_emb + val_emb

if __name__ == "__main__":
    import jax
    _d = setup_inputs()
    print(jax.jit(kernel)(*tuple(_d.values())))

</pallas_src>

<mosaic_0001>
#map = affine_map<(d0, d1) -> (0)>
#map1 = affine_map<(d0, d1) -> (0, 0, 0)>
module attributes {stable_mosaic.version = 14 : i64} {
  func.func @_sc_body(%arg0: i32, %arg1: i32, %arg2: memref<1638400xf32, #tpu.memory_space<hbm>>, %arg3: memref<6400xf32, #tpu.memory_space<hbm>>, %arg4: memref<64xf32, #tpu.memory_space<hbm>>, %arg5: memref<64xf32, #tpu.memory_space<hbm>>, %arg6: memref<16384x100x64xf32, #tpu.memory_space<hbm>>, %arg7: memref<6400xf32, #tpu.memory_space<vmem>>, %arg8: memref<64xf32, #tpu.memory_space<vmem>>, %arg9: memref<64xf32, #tpu.memory_space<vmem>>, %arg10: memref<408xf32, #tpu.memory_space<vmem>>, %arg11: memref<408xf32, #tpu.memory_space<vmem>>, %arg12: memref<4x100x64xf32, #tpu.memory_space<vmem>>, %arg13: memref<4x100x64xf32, #tpu.memory_space<vmem>>, %arg14: memref<!tpu.dma_semaphore, #tpu.memory_space<semaphore_mem>>, %arg15: memref<!tpu.dma_semaphore, #tpu.memory_space<semaphore_mem>>, %arg16: memref<!tpu.dma_semaphore, #tpu.memory_space<semaphore_mem>>, %arg17: memref<!tpu.dma_semaphore, #tpu.memory_space<semaphore_mem>>) attributes {dimension_semantics = [#tpu.dimension_semantics<core_parallel>, #tpu.dimension_semantics<subcore_parallel>], iteration_bounds = array<i64: 2, 16>, scalar_prefetch = 0 : i64, scratch_operands = 11 : i64, tpu.core_type = #tpu.core_type<sc_vector_subcore>, window_params = [{transform_indices = #map}, {transform_indices = #map}, {transform_indices = #map}, {transform_indices = #map}, {transform_indices = #map1}]} {
    %mul3A = arith.constant 2 : i32
    %mul3A_0 = arith.muli %arg1, %mul3A : i32
    %add3A = arith.addi %mul3A_0, %arg0 : i32
    %mul3A_1 = arith.constant 51200 : i32
    %mul3A_2 = arith.muli %add3A, %mul3A_1 : i32
    %mul3A_3 = arith.constant 512 : i32
    %mul3A_4 = arith.muli %add3A, %mul3A_3 : i32
    "tpu.region"() ({
      %run_scoped3A = tpu.sem_alloc : memref<!tpu.dma_semaphore, #tpu.memory_space<semaphore_mem>>
      tpu.enqueue_dma source(%arg3 : memref<6400xf32, #tpu.memory_space<hbm>>) target(%arg7 : memref<6400xf32, #tpu.memory_space<vmem>>) target_semaphore(%run_scoped3A : memref<!tpu.dma_semaphore, #tpu.memory_space<semaphore_mem>>)
      tpu.wait_dma2 semaphore(%run_scoped3A : memref<!tpu.dma_semaphore, #tpu.memory_space<semaphore_mem>>) src(%arg3 : memref<6400xf32, #tpu.memory_space<hbm>>) dst(%arg7 : memref<6400xf32, #tpu.memory_space<vmem>>)
      tpu.yield
    }) : () -> ()
    "tpu.region"() ({
      %run_scoped3A = tpu.sem_alloc : memref<!tpu.dma_semaphore, #tpu.memory_space<semaphore_mem>>
      tpu.enqueue_dma source(%arg4 : memref<64xf32, #tpu.memory_space<hbm>>) target(%arg8 : memref<64xf32, #tpu.memory_space<vmem>>) target_semaphore(%run_scoped3A : memref<!tpu.dma_semaphore, #tpu.memory_space<semaphore_mem>>)
      tpu.wait_dma2 semaphore(%run_scoped3A : memref<!tpu.dma_semaphore, #tpu.memory_space<semaphore_mem>>) src(%arg4 : memref<64xf32, #tpu.memory_space<hbm>>) dst(%arg8 : memref<64xf32, #tpu.memory_space<vmem>>)
      tpu.yield
    }) : () -> ()
    "tpu.region"() ({
      %run_scoped3A = tpu.sem_alloc : memref<!tpu.dma_semaphore, #tpu.memory_space<semaphore_mem>>
      tpu.enqueue_dma source(%arg5 : memref<64xf32, #tpu.memory_space<hbm>>) target(%arg9 : memref<64xf32, #tpu.memory_space<vmem>>) target_semaphore(%run_scoped3A : memref<!tpu.dma_semaphore, #tpu.memory_space<semaphore_mem>>)
      tpu.wait_dma2 semaphore(%run_scoped3A : memref<!tpu.dma_semaphore, #tpu.memory_space<semaphore_mem>>) src(%arg5 : memref<64xf32, #tpu.memory_space<hbm>>) dst(%arg9 : memref<64xf32, #tpu.memory_space<vmem>>)
      tpu.yield
    }) : () -> ()
    %get3A = arith.constant 0 : index
    %get3A_5 = tpu.vector_load %arg9[%get3A] {strides = array<i32>} : memref<64xf32, #tpu.memory_space<vmem>>, vector<16xf32>,
    %get3A_6 = arith.constant 16 : index
    %get3A_7 = tpu.vector_load %arg9[%get3A_6] {strides = array<i32>} : memref<64xf32, #tpu.memory_space<vmem>>, vector<16xf32>,
    %get3A_8 = arith.constant 32 : index
    %get3A_9 = tpu.vector_load %arg9[%get3A_8] {strides = array<i32>} : memref<64xf32, #tpu.memory_space<vmem>>, vector<16xf32>,
    %get3A_10 = arith.constant 48 : index
    %get3A_11 = tpu.vector_load %arg9[%get3A_10] {strides = array<i32>} : memref<64xf32, #tpu.memory_space<vmem>>, vector<16xf32>,
    %get3A_12 = arith.constant 0 : index
    %get3A_13 = tpu.vector_load %arg8[%get3A_12] {strides = array<i32>} : memref<64xf32, #tpu.memory_space<vmem>>, vector<16xf32>,
    %get3A_14 = arith.constant 16 : index
    %get3A_15 = tpu.vector_load %arg8[%get3A_14] {strides = array<i32>} : memref<64xf32, #tpu.memory_space<vmem>>, vector<16xf32>,
    %get3A_16 = arith.constant 32 : index
    %get3A_17 = tpu.vector_load %arg8[%get3A_16] {strides = array<i32>} : memref<64xf32, #tpu.memory_space<vmem>>, vector<16xf32>,
    %get3A_18 = arith.constant 48 : index
    %get3A_19 = tpu.vector_load %arg8[%get3A_18] {strides = array<i32>} : memref<64xf32, #tpu.memory_space<vmem>>, vector<16xf32>,
    %parallel_loop3A = arith.constant 0 : i32
    %parallel_loop3A_20 = arith.constant 100 : i32
    %parallel_loop3A_21 = arith.constant 1 : i32
    scf.for %parallel_loop3A_50 = %parallel_loop3A to %parallel_loop3A_20 step %parallel_loop3A_21  : i32 {
      %parallel_loop3A_51 = arith.constant 64 : i32
      %parallel_loop3A_52 = arith.muli %parallel_loop3A_50, %parallel_loop3A_51 : i32
      %parallel_loop3A_53 = arith.constant 0 : i32
      %parallel_loop3A_54 = arith.addi %parallel_loop3A_52, %parallel_loop3A_53 : i32
      %parallel_loop3A_55 = arith.index_cast %parallel_loop3A_54 : i32 to index
      %parallel_loop3A_56 = tpu.vector_load %arg7[%parallel_loop3A_55] {strides = array<i32>} : memref<6400xf32, #tpu.memory_space<vmem>>, vector<16xf32>,
      %parallel_loop3A_57 = arith.addf %parallel_loop3A_56, %get3A_5 : vector<16xf32>
      %parallel_loop3A_58 = arith.index_cast %parallel_loop3A_54 : i32 to index
      %parallel_loop3A_59 = tpu.vector_load %arg7[%parallel_loop3A_58] {strides = array<i32>} : memref<6400xf32, #tpu.memory_space<vmem>>, vector<16xf32>,
      tpu.vector_store %arg7[%parallel_loop3A_58], %parallel_loop3A_57 {strides = array<i32>} : memref<6400xf32, #tpu.memory_space<vmem>>, vector<16xf32>,
      %parallel_loop3A_60 = arith.constant 64 : i32
      %parallel_loop3A_61 = arith.muli %parallel_loop3A_50, %parallel_loop3A_60 : i32
      %parallel_loop3A_62 = arith.constant 16 : i32
      %parallel_loop3A_63 = arith.addi %parallel_loop3A_61, %parallel_loop3A_62 : i32
      %parallel_loop3A_64 = arith.index_cast %parallel_loop3A_63 : i32 to index
      %parallel_loop3A_65 = tpu.vector_load %arg7[%parallel_loop3A_64] {strides = array<i32>} : memref<6400xf32, #tpu.memory_space<vmem>>, vector<16xf32>,
      %parallel_loop3A_66 = arith.addf %parallel_loop3A_65, %get3A_7 : vector<16xf32>
      %parallel_loop3A_67 = arith.index_cast %parallel_loop3A_63 : i32 to index
      %parallel_loop3A_68 = tpu.vector_load %arg7[%parallel_loop3A_67] {strides = array<i32>} : memref<6400xf32, #tpu.memory_space<vmem>>, vector<16xf32>,
      tpu.vector_store %arg7[%parallel_loop3A_67], %parallel_loop3A_66 {strides = array<i32>} : memref<6400xf32, #tpu.memory_space<vmem>>, vector<16xf32>,
      %parallel_loop3A_69 = arith.constant 64 : i32
      %parallel_loop3A_70 = arith.muli %parallel_loop3A_50, %parallel_loop3A_69 : i32
      %parallel_loop3A_71 = arith.constant 32 : i32
      %parallel_loop3A_72 = arith.addi %parallel_loop3A_70, %parallel_loop3A_71 : i32
      %parallel_loop3A_73 = arith.index_cast %parallel_loop3A_72 : i32 to index
      %parallel_loop3A_74 = tpu.vector_load %arg7[%parallel_loop3A_73] {strides = array<i32>} : memref<6400xf32, #tpu.memory_space<vmem>>, vector<16xf32>,
      %parallel_loop3A_75 = arith.addf %parallel_loop3A_74, %get3A_9 : vector<16xf32>
      %parallel_loop3A_76 = arith.index_cast %parallel_loop3A_72 : i32 to index
      %parallel_loop3A_77 = tpu.vector_load %arg7[%parallel_loop3A_76] {strides = array<i32>} : memref<6400xf32, #tpu.memory_space<vmem>>, vector<16xf32>,
      tpu.vector_store %arg7[%parallel_loop3A_76], %parallel_loop3A_75 {strides = array<i32>} : memref<6400xf32, #tpu.memory_space<vmem>>, vector<16xf32>,
      %parallel_loop3A_78 = arith.constant 64 : i32
      %parallel_loop3A_79 = arith.muli %parallel_loop3A_50, %parallel_loop3A_78 : i32
      %parallel_loop3A_80 = arith.constant 48 : i32
      %parallel_loop3A_81 = arith.addi %parallel_loop3A_79, %parallel_loop3A_80 : i32
      %parallel_loop3A_82 = arith.index_cast %parallel_loop3A_81 : i32 to index
      %parallel_loop3A_83 = tpu.vector_load %arg7[%parallel_loop3A_82] {strides = array<i32>} : memref<6400xf32, #tpu.memory_space<vmem>>, vector<16xf32>,
      %parallel_loop3A_84 = arith.addf %parallel_loop3A_83, %get3A_11 : vector<16xf32>
      %parallel_loop3A_85 = arith.index_cast %parallel_loop3A_81 : i32 to index
      %parallel_loop3A_86 = tpu.vector_load %arg7[%parallel_loop3A_85] {strides = array<i32>} : memref<6400xf32, #tpu.memory_space<vmem>>, vector<16xf32>,
      tpu.vector_store %arg7[%parallel_loop3A_85], %parallel_loop3A_84 {strides = array<i32>} : memref<6400xf32, #tpu.memory_space<vmem>>, vector<16xf32>,
    } {sc.loop_unroll_factor = 1 : i64, sc.parallel_access}
    %dma_start3A = arith.constant 8 : i32
    %dma_start3A_22 = tpu.memref_slice %arg10[%dma_start3A] : memref<408xf32, #tpu.memory_space<vmem>> -> memref<400xf32, #tpu.memory_space<vmem>>
    %dma_start3A_23 = tpu.memref_slice %arg2[%mul3A_2] : memref<1638400xf32, #tpu.memory_space<hbm>> -> memref<400xf32, #tpu.memory_space<hbm>>
    %dma_start3A_24 = arith.constant 8 : i32
    %dma_start3A_25 = tpu.memref_slice %arg10[%dma_start3A_24] : memref<408xf32, #tpu.memory_space<vmem>> -> memref<400xf32, #tpu.memory_space<vmem>>
    %dma_start3A_26 = tpu.memref_slice %arg2[%mul3A_2] : memref<1638400xf32, #tpu.memory_space<hbm>> -> memref<400xf32, #tpu.memory_space<hbm>>
    tpu.enqueue_dma source(%dma_start3A_26 : memref<400xf32, #tpu.memory_space<hbm>>) target(%dma_start3A_25 : memref<400xf32, #tpu.memory_space<vmem>>) target_semaphore(%arg14 : memref<!tpu.dma_semaphore, #tpu.memory_space<semaphore_mem>>)
    %add3A_27 = arith.constant 400 : i32
    %add3A_28 = arith.addi %mul3A_2, %add3A_27 : i32
    %dma_start3A_29 = arith.constant 8 : i32
    %dma_start3A_30 = tpu.memref_slice %arg11[%dma_start3A_29] : memref<408xf32, #tpu.memory_space<vmem>> -> memref<400xf32, #tpu.memory_space<vmem>>
    %dma_start3A_31 = tpu.memref_slice %arg2[%add3A_28] : memref<1638400xf32, #tpu.memory_space<hbm>> -> memref<400xf32, #tpu.memory_space<hbm>>
    %dma_start3A_32 = arith.constant 8 : i32
    %dma_start3A_33 = tpu.memref_slice %arg11[%dma_start3A_32] : memref<408xf32, #tpu.memory_space<vmem>> -> memref<400xf32, #tpu.memory_space<vmem>>
    %dma_start3A_34 = tpu.memref_slice %arg2[%add3A_28] : memref<1638400xf32, #tpu.memory_space<hbm>> -> memref<400xf32, #tpu.memory_space<hbm>>
    tpu.enqueue_dma source(%dma_start3A_34 : memref<400xf32, #tpu.memory_space<hbm>>) target(%dma_start3A_33 : memref<400xf32, #tpu.memory_space<vmem>>) target_semaphore(%arg15 : memref<!tpu.dma_semaphore, #tpu.memory_space<semaphore_mem>>)
    %scan3A = arith.constant 0 : i32
    %scan3A_35 = arith.constant 64 : i32
    %scan3A_36 = arith.addi %scan3A, %scan3A_35 : i32
    %scan3A_37 = arith.constant 1 : i32
    scf.for %scan3A_50 = %scan3A to %scan3A_36 step %scan3A_37  : i32 {
      %mul3A_51 = arith.constant 8 : i32
      %mul3A_52 = arith.muli %scan3A_50, %mul3A_51 : i32
      %add3A_53 = arith.constant 0 : i32
      %add3A_54 = arith.addi %add3A_53, %mul3A_52 : i32
      %add3A_55 = arith.constant 0 : i32
      %add3A_56 = arith.addi %add3A_54, %add3A_55 : i32
      %dma_wait3A_57 = arith.constant 8 : i32
      %dma_wait3A_58 = tpu.memref_slice %arg10[%dma_wait3A_57] : memref<408xf32, #tpu.memory_space<vmem>> -> memref<400xf32, #tpu.memory_space<vmem>>
      %dma_wait3A_59 = tpu.memref_slice %arg2[%mul3A_2] : memref<1638400xf32, #tpu.memory_space<hbm>> -> memref<400xf32, #tpu.memory_space<hbm>>
      %dma_wait3A_60 = arith.constant 8 : i32
      %dma_wait3A_61 = tpu.memref_slice %arg10[%dma_wait3A_60] : memref<408xf32, #tpu.memory_space<vmem>> -> memref<400xf32, #tpu.memory_space<vmem>>
      %dma_wait3A_62 = tpu.memref_slice %arg2[%mul3A_2] : memref<1638400xf32, #tpu.memory_space<hbm>> -> memref<400xf32, #tpu.memory_space<hbm>>
      tpu.wait_dma2 semaphore(%arg14 : memref<!tpu.dma_semaphore, #tpu.memory_space<semaphore_mem>>) src(%dma_wait3A_62 : memref<400xf32, #tpu.memory_space<hbm>>) dst(%dma_wait3A_61 : memref<400xf32, #tpu.memory_space<vmem>>)
      %ge3A = arith.constant 8 : i32
      %ge3A_63 = arith.cmpi sge, %add3A_56, %ge3A : i32
      %convert_element_type3A = arith.extui %ge3A_63 : i1 to i32
      %cond3A = arith.constant 0 : i32
      %cond3A_64 = arith.cmpi ne, %convert_element_type3A, %cond3A : i32
      scf.if %cond3A_64 {
        %dma_wait3A_111 = arith.constant 0 : i32
        %dma_wait3A_112 = arith.constant 0 : i32
        %dma_wait3A_113 = tpu.memref_slice %arg6[%mul3A_4, %dma_wait3A_111, %dma_wait3A_112] : memref<16384x100x64xf32, #tpu.memory_space<hbm>> -> memref<4x100x64xf32, #tpu.memory_space<hbm>>
        %dma_wait3A_114 = arith.constant 0 : i32
        %dma_wait3A_115 = arith.constant 0 : i32
        %dma_wait3A_116 = tpu.memref_slice %arg6[%mul3A_4, %dma_wait3A_114, %dma_wait3A_115] : memref<16384x100x64xf32, #tpu.memory_space<hbm>> -> memref<4x100x64xf32, #tpu.memory_space<hbm>>
        tpu.wait_dma2 semaphore(%arg16 : memref<!tpu.dma_semaphore, #tpu.memory_space<semaphore_mem>>) src(%arg12 : memref<4x100x64xf32, #tpu.memory_space<vmem>>) dst(%dma_wait3A_116 : memref<4x100x64xf32, #tpu.memory_space<hbm>>)
      } else {
      }
      %parallel_loop3A_65 = arith.constant 0 : i32
      %parallel_loop3A_66 = arith.constant 100 : i32
      %parallel_loop3A_67 = arith.constant 1 : i32
      scf.for %parallel_loop3A_111 = %parallel_loop3A_65 to %parallel_loop3A_66 step %parallel_loop3A_67  : i32 {
        %parallel_loop3A_112 = arith.constant 64 : i32
        %parallel_loop3A_113 = arith.muli %parallel_loop3A_111, %parallel_loop3A_112 : i32
        %parallel_loop3A_114 = arith.constant 0 : i32
        %parallel_loop3A_115 = arith.addi %parallel_loop3A_113, %parallel_loop3A_114 : i32
        %parallel_loop3A_116 = arith.index_cast %parallel_loop3A_115 : i32 to index
        %parallel_loop3A_117 = tpu.vector_load %arg7[%parallel_loop3A_116] {strides = array<i32>} : memref<6400xf32, #tpu.memory_space<vmem>>, vector<16xf32>,
        %parallel_loop3A_118 = arith.constant 64 : i32
        %parallel_loop3A_119 = arith.muli %parallel_loop3A_111, %parallel_loop3A_118 : i32
        %parallel_loop3A_120 = arith.constant 16 : i32
        %parallel_loop3A_121 = arith.addi %parallel_loop3A_119, %parallel_loop3A_120 : i32
        %parallel_loop3A_122 = arith.index_cast %parallel_loop3A_121 : i32 to index
        %parallel_loop3A_123 = tpu.vector_load %arg7[%parallel_loop3A_122] {strides = array<i32>} : memref<6400xf32, #tpu.memory_space<vmem>>, vector<16xf32>,
        %parallel_loop3A_124 = arith.constant 64 : i32
        %parallel_loop3A_125 = arith.muli %parallel_loop3A_111, %parallel_loop3A_124 : i32
        %parallel_loop3A_126 = arith.constant 32 : i32
        %parallel_loop3A_127 = arith.addi %parallel_loop3A_125, %parallel_loop3A_126 : i32
        %parallel_loop3A_128 = arith.index_cast %parallel_loop3A_127 : i32 to index
        %parallel_loop3A_129 = tpu.vector_load %arg7[%parallel_loop3A_128] {strides = array<i32>} : memref<6400xf32, #tpu.memory_space<vmem>>, vector<16xf32>,
        %parallel_loop3A_130 = arith.constant 64 : i32
        %parallel_loop3A_131 = arith.muli %parallel_loop3A_111, %parallel_loop3A_130 : i32
        %parallel_loop3A_132 = arith.constant 48 : i32
        %parallel_loop3A_133 = arith.addi %parallel_loop3A_131, %parallel_loop3A_132 : i32
        %parallel_loop3A_134 = arith.index_cast %parallel_loop3A_133 : i32 to index
        %parallel_loop3A_135 = tpu.vector_load %arg7[%parallel_loop3A_134] {strides = array<i32>} : memref<6400xf32, #tpu.memory_space<vmem>>, vector<16xf32>,
        %parallel_loop3A_136 = arith.constant 8 : i32
        %parallel_loop3A_137 = arith.addi %parallel_loop3A_136, %parallel_loop3A_111 : i32
        %parallel_loop3A_138 = vector.broadcast %parallel_loop3A_137 : i32 to vector<16xi32>
        %parallel_loop3A_139 = tpu.vector_load_idx %arg10[%parallel_loop3A_138] : memref<408xf32, #tpu.memory_space<vmem>>[vector<16xi32>], vector<16xf32>,
        %parallel_loop3A_140 = arith.mulf %parallel_loop3A_139, %get3A_13 : vector<16xf32>
        %parallel_loop3A_141 = arith.addf %parallel_loop3A_140, %parallel_loop3A_117 : vector<16xf32>
        %parallel_loop3A_142 = arith.constant 0 : i32
        %parallel_loop3A_143 = arith.constant 0 : i32
        %parallel_loop3A_144 = arith.constant 0 : i32
        %parallel_loop3A_145 = tpu.memref_slice %arg12[%parallel_loop3A_142, %parallel_loop3A_143, %parallel_loop3A_144] : memref<4x100x64xf32, #tpu.memory_space<vmem>> -> memref<1x100x64xf32, #tpu.memory_space<vmem>>
        %parallel_loop3A_146 = tpu.memref_squeeze %parallel_loop3A_145 : memref<1x100x64xf32, #tpu.memory_space<vmem>> -> memref<100x64xf32, #tpu.memory_space<vmem>>
        %parallel_loop3A_147 = arith.index_cast %parallel_loop3A_111 : i32 to index
        %parallel_loop3A_148 = arith.constant 0 : index
        %parallel_loop3A_149 = tpu.vector_load %parallel_loop3A_146[%parallel_loop3A_147, %parallel_loop3A_148] {strides = array<i32>} : memref<100x64xf32, #tpu.memory_space<vmem>>, vector<16xf32>,
        tpu.vector_store %parallel_loop3A_146[%parallel_loop3A_147, %parallel_loop3A_148], %parallel_loop3A_141 {strides = array<i32>} : memref<100x64xf32, #tpu.memory_space<vmem>>, vector<16xf32>,
        %parallel_loop3A_150 = arith.mulf %parallel_loop3A_139, %get3A_15 : vector<16xf32>
        %parallel_loop3A_151 = arith.addf %parallel_loop3A_150, %parallel_loop3A_123 : vector<16xf32>
        %parallel_loop3A_152 = arith.constant 0 : i32
        %parallel_loop3A_153 = arith.constant 0 : i32
        %parallel_loop3A_154 = arith.constant 0 : i32
        %parallel_loop3A_155 = tpu.memref_slice %arg12[%parallel_loop3A_152, %parallel_loop3A_153, %parallel_loop3A_154] : memref<4x100x64xf32, #tpu.memory_space<vmem>> -> memref<1x100x64xf32, #tpu.memory_space<vmem>>
        %parallel_loop3A_156 = tpu.memref_squeeze %parallel_loop3A_155 : memref<1x100x64xf32, #tpu.memory_space<vmem>> -> memref<100x64xf32, #tpu.memory_space<vmem>>
        %parallel_loop3A_157 = arith.index_cast %parallel_loop3A_111 : i32 to index
        %parallel_loop3A_158 = arith.constant 16 : index
        %parallel_loop3A_159 = tpu.vector_load %parallel_loop3A_156[%parallel_loop3A_157, %parallel_loop3A_158] {strides = array<i32>} : memref<100x64xf32, #tpu.memory_space<vmem>>, vector<16xf32>,
        tpu.vector_store %parallel_loop3A_156[%parallel_loop3A_157, %parallel_loop3A_158], %parallel_loop3A_151 {strides = array<i32>} : memref<100x64xf32, #tpu.memory_space<vmem>>, vector<16xf32>,
        %parallel_loop3A_160 = arith.mulf %parallel_loop3A_139, %get3A_17 : vector<16xf32>
        %parallel_loop3A_161 = arith.addf %parallel_loop3A_160, %parallel_loop3A_129 : vector<16xf32>
        %parallel_loop3A_162 = arith.constant 0 : i32
        %parallel_loop3A_163 = arith.constant 0 : i32
        %parallel_loop3A_164 = arith.constant 0 : i32
        %parallel_loop3A_165 = tpu.memref_slice %arg12[%parallel_loop3A_162, %parallel_loop3A_163, %parallel_loop3A_164] : memref<4x100x64xf32, #tpu.memory_space<vmem>> -> memref<1x100x64xf32, #tpu.memory_space<vmem>>
        %parallel_loop3A_166 = tpu.memref_squeeze %parallel_loop3A_165 : memref<1x100x64xf32, #tpu.memory_space<vmem>> -> memref<100x64xf32, #tpu.memory_space<vmem>>
        %parallel_loop3A_167 = arith.index_cast %parallel_loop3A_111 : i32 to index
        %parallel_loop3A_168 = arith.constant 32 : index
        %parallel_loop3A_169 = tpu.vector_load %parallel_loop3A_166[%parallel_loop3A_167, %parallel_loop3A_168] {strides = array<i32>} : memref<100x64xf32, #tpu.memory_space<vmem>>, vector<16xf32>,
        tpu.vector_store %parallel_loop3A_166[%parallel_loop3A_167, %parallel_loop3A_168], %parallel_loop3A_161 {strides = array<i32>} : memref<100x64xf32, #tpu.memory_space<vmem>>, vector<16xf32>,
        %parallel_loop3A_170 = arith.mulf %parallel_loop3A_139, %get3A_19 : vector<16xf32>
        %parallel_loop3A_171 = arith.addf %parallel_loop3A_170, %parallel_loop3A_135 : vector<16xf32>
        %parallel_loop3A_172 = arith.constant 0 : i32
        %parallel_loop3A_173 = arith.constant 0 : i32
        %parallel_loop3A_174 = arith.constant 0 : i32
        %parallel_loop3A_175 = tpu.memref_slice %arg12[%parallel_loop3A_172, %parallel_loop3A_173, %parallel_loop3A_174] : memref<4x100x64xf32, #tpu.memory_space<vmem>> -> memref<1x100x64xf32, #tpu.memory_space<vmem>>
        %parallel_loop3A_176 = tpu.memref_squeeze %parallel_loop3A_175 : memref<1x100x64xf32, #tpu.memory_space<vmem>> -> memref<100x64xf32, #tpu.memory_space<vmem>>
        %parallel_loop3A_177 = arith.index_cast %parallel_loop3A_111 : i32 to index
        %parallel_loop3A_178 = arith.constant 48 : index
        %parallel_loop3A_179 = tpu.vector_load %parallel_loop3A_176[%parallel_loop3A_177, %parallel_loop3A_178] {strides = array<i32>} : memref<100x64xf32, #tpu.memory_space<vmem>>, vector<16xf32>,
        tpu.vector_store %parallel_loop3A_176[%parallel_loop3A_177, %parallel_loop3A_178], %parallel_loop3A_171 {strides = array<i32>} : memref<100x64xf32, #tpu.memory_space<vmem>>, vector<16xf32>,
        %parallel_loop3A_180 = arith.constant 108 : i32
        %parallel_loop3A_181 = arith.addi %parallel_loop3A_180, %parallel_loop3A_111 : i32
        %parallel_loop3A_182 = vector.broadcast %parallel_loop3A_181 : i32 to vector<16xi32>
        %parallel_loop3A_183 = tpu.vector_load_idx %arg10[%parallel_loop3A_182] : memref<408xf32, #tpu.memory_space<vmem>>[vector<16xi32>], vector<16xf32>,
        %parallel_loop3A_184 = arith.mulf %parallel_loop3A_183, %get3A_13 : vector<16xf32>
        %parallel_loop3A_185 = arith.addf %parallel_loop3A_184, %parallel_loop3A_117 : vector<16xf32>
        %parallel_loop3A_186 = arith.constant 1 : i32
        %parallel_loop3A_187 = arith.constant 0 : i32
        %parallel_loop3A_188 = arith.constant 0 : i32
        %parallel_loop3A_189 = tpu.memref_slice %arg12[%parallel_loop3A_186, %parallel_loop3A_187, %parallel_loop3A_188] : memref<4x100x64xf32, #tpu.memory_space<vmem>> -> memref<1x100x64xf32, #tpu.memory_space<vmem>>
        %parallel_loop3A_190 = tpu.memref_squeeze %parallel_loop3A_189 : memref<1x100x64xf32, #tpu.memory_space<vmem>> -> memref<100x64xf32, #tpu.memory_space<vmem>>
        %parallel_loop3A_191 = arith.index_cast %parallel_loop3A_111 : i32 to index
        %parallel_loop3A_192 = arith.constant 0 : index
        %parallel_loop3A_193 = tpu.vector_load %parallel_loop3A_190[%parallel_loop3A_191, %parallel_loop3A_192] {strides = array<i32>} : memref<100x64xf32, #tpu.memory_space<vmem>>, vector<16xf32>,
        tpu.vector_store %parallel_loop3A_190[%parallel_loop3A_191, %parallel_loop3A_192], %parallel_loop3A_185 {strides = array<i32>} : memref<100x64xf32, #tpu.memory_space<vmem>>, vector<16xf32>,
        %parallel_loop3A_194 = arith.mulf %parallel_loop3A_183, %get3A_15 : vector<16xf32>
        %parallel_loop3A_195 = arith.addf %parallel_loop3A_194, %parallel_loop3A_123 : vector<16xf32>
        %parallel_loop3A_196 = arith.constant 1 : i32
        %parallel_loop3A_197 = arith.constant 0 : i32
        %parallel_loop3A_198 = arith.constant 0 : i32
        %parallel_loop3A_199 = tpu.memref_slice %arg12[%parallel_loop3A_196, %parallel_loop3A_197, %parallel_loop3A_198] : memref<4x100x64xf32, #tpu.memory_space<vmem>> -> memref<1x100x64xf32, #tpu.memory_space<vmem>>
        %parallel_loop3A_200 = tpu.memref_squeeze %parallel_loop3A_199 : memref<1x100x64xf32, #tpu.memory_space<vmem>> -> memref<100x64xf32, #tpu.memory_space<vmem>>
        %parallel_loop3A_201 = arith.index_cast %parallel_loop3A_111 : i32 to index
        %parallel_loop3A_202 = arith.constant 16 : index
        %parallel_loop3A_203 = tpu.vector_load %parallel_loop3A_200[%parallel_loop3A_201, %parallel_loop3A_202] {strides = array<i32>} : memref<100x64xf32, #tpu.memory_space<vmem>>, vector<16xf32>,
        tpu.vector_store %parallel_loop3A_200[%parallel_loop3A_201, %parallel_loop3A_202], %parallel_loop3A_195 {strides = array<i32>} : memref<100x64xf32, #tpu.memory_space<vmem>>, vector<16xf32>,
        %parallel_loop3A_204 = arith.mulf %parallel_loop3A_183, %get3A_17 : vector<16xf32>
        %parallel_loop3A_205 = arith.addf %parallel_loop3A_204, %parallel_loop3A_129 : vector<16xf32>
        %parallel_loop3A_206 = arith.constant 1 : i32
        %parallel_loop3A_207 = arith.constant 0 : i32
        %parallel_loop3A_208 = arith.constant 0 : i32
        %parallel_loop3A_209 = tpu.memref_slice %arg12[%parallel_loop3A_206, %parallel_loop3A_207, %parallel_loop3A_208] : memref<4x100x64xf32, #tpu.memory_space<vmem>> -> memref<1x100x64xf32, #tpu.memory_space<vmem>>
        %parallel_loop3A_210 = tpu.memref_squeeze %parallel_loop3A_209 : memref<1x100x64xf32, #tpu.memory_space<vmem>> -> memref<100x64xf32, #tpu.memory_space<vmem>>
        %parallel_loop3A_211 = arith.index_cast %parallel_loop3A_111 : i32 to index
        %parallel_loop3A_212 = arith.constant 32 : index
        %parallel_loop3A_213 = tpu.vector_load %parallel_loop3A_210[%parallel_loop3A_211, %parallel_loop3A_212] {strides = array<i32>} : memref<100x64xf32, #tpu.memory_space<vmem>>, vector<16xf32>,
        tpu.vector_store %parallel_loop3A_210[%parallel_loop3A_211, %parallel_loop3A_212], %parallel_loop3A_205 {strides = array<i32>} : memref<100x64xf32, #tpu.memory_space<vmem>>, vector<16xf32>,
        %parallel_loop3A_214 = arith.mulf %parallel_loop3A_183, %get3A_19 : vector<16xf32>
        %parallel_loop3A_215 = arith.addf %parallel_loop3A_214, %parallel_loop3A_135 : vector<16xf32>
        %parallel_loop3A_216 = arith.constant 1 : i32
        %parallel_loop3A_217 = arith.constant 0 : i32
        %parallel_loop3A_218 = arith.constant 0 : i32
        %parallel_loop3A_219 = tpu.memref_slice %arg12[%parallel_loop3A_216, %parallel_loop3A_217, %parallel_loop3A_218] : memref<4x100x64xf32, #tpu.memory_space<vmem>> -> memref<1x100x64xf32, #tpu.memory_space<vmem>>
        %parallel_loop3A_220 = tpu.memref_squeeze %parallel_loop3A_219 : memref<1x100x64xf32, #tpu.memory_space<vmem>> -> memref<100x64xf32, #tpu.memory_space<vmem>>
        %parallel_loop3A_221 = arith.index_cast %parallel_loop3A_111 : i32 to index
        %parallel_loop3A_222 = arith.constant 48 : index
        %parallel_loop3A_223 = tpu.vector_load %parallel_loop3A_220[%parallel_loop3A_221, %parallel_loop3A_222] {strides = array<i32>} : memref<100x64xf32, #tpu.memory_space<vmem>>, vector<16xf32>,
        tpu.vector_store %parallel_loop3A_220[%parallel_loop3A_221, %parallel_loop3A_222], %parallel_loop3A_215 {strides = array<i32>} : memref<100x64xf32, #tpu.memory_space<vmem>>, vector<16xf32>,
        %parallel_loop3A_224 = arith.constant 208 : i32
        %parallel_loop3A_225 = arith.addi %parallel_loop3A_224, %parallel_loop3A_111 : i32
        %parallel_loop3A_226 = vector.broadcast %parallel_loop3A_225 : i32 to vector<16xi32>
        %parallel_loop3A_227 = tpu.vector_load_idx %arg10[%parallel_loop3A_226] : memref<408xf32, #tpu.memory_space<vmem>>[vector<16xi32>], vector<16xf32>,
        %parallel_loop3A_228 = arith.mulf %parallel_loop3A_227, %get3A_13 : vector<16xf32>
        %parallel_loop3A_229 = arith.addf %parallel_loop3A_228, %parallel_loop3A_117 : vector<16xf32>
        %parallel_loop3A_230 = arith.constant 2 : i32
        %parallel_loop3A_231 = arith.constant 0 : i32
        %parallel_loop3A_232 = arith.constant 0 : i32
        %parallel_loop3A_233 = tpu.memref_slice %arg12[%parallel_loop3A_230, %parallel_loop3A_231, %parallel_loop3A_232] : memref<4x100x64xf32, #tpu.memory_space<vmem>> -> memref<1x100x64xf32, #tpu.memory_space<vmem>>
        %parallel_loop3A_234 = tpu.memref_squeeze %parallel_loop3A_233 : memref<1x100x64xf32, #tpu.memory_space<vmem>> -> memref<100x64xf32, #tpu.memory_space<vmem>>
        %parallel_loop3A_235 = arith.index_cast %parallel_loop3A_111 : i32 to index
        %parallel_loop3A_236 = arith.constant 0 : index
        %parallel_loop3A_237 = tpu.vector_load %parallel_loop3A_234[%parallel_loop3A_235, %parallel_loop3A_236] {strides = array<i32>} : memref<100x64xf32, #tpu.memory_space<vmem>>, vector<16xf32>,
        tpu.vector_store %parallel_loop3A_234[%parallel_loop3A_235, %parallel_loop3A_236], %parallel_loop3A_229 {strides = array<i32>} : memref<100x64xf32, #tpu.memory_space<vmem>>, vector<16xf32>,
        %parallel_loop3A_238 = arith.mulf %parallel_loop3A_227, %get3A_15 : vector<16xf32>
        %parallel_loop3A_239 = arith.addf %parallel_loop3A_238, %parallel_loop3A_123 : vector<16xf32>
        %parallel_loop3A_240 = arith.constant 2 : i32
        %parallel_loop3A_241 = arith.constant 0 : i32
        %parallel_loop3A_242 = arith.constant 0 : i32
        %parallel_loop3A_243 = tpu.memref_slice %arg12[%parallel_loop3A_240, %parallel_loop3A_241, %parallel_loop3A_242] : memref<4x100x64xf32, #tpu.memory_space<vmem>> -> memref<1x100x64xf32, #tpu.memory_space<vmem>>
        %parallel_loop3A_244 = tpu.memref_squeeze %parallel_loop3A_243 : memref<1x100x64xf32, #tpu.memory_space<vmem>> -> memref<100x64xf32, #tpu.memory_space<vmem>>
        %parallel_loop3A_245 = arith.index_cast %parallel_loop3A_111 : i32 to index
        %parallel_loop3A_246 = arith.constant 16 : index
        %parallel_loop3A_247 = tpu.vector_load %parallel_loop3A_244[%parallel_loop3A_245, %parallel_loop3A_246] {strides = array<i32>} : memref<100x64xf32, #tpu.memory_space<vmem>>, vector<16xf32>,
        tpu.vector_store %parallel_loop3A_244[%parallel_loop3A_245, %parallel_loop3A_246], %parallel_loop3A_239 {strides = array<i32>} : memref<100x64xf32, #tpu.memory_space<vmem>>, vector<16xf32>,
        %parallel_loop3A_248 = arith.mulf %parallel_loop3A_227, %get3A_17 : vector<16xf32>
        %parallel_loop3A_249 = arith.addf %parallel_loop3A_248, %parallel_loop3A_129 : vector<16xf32>
        %parallel_loop3A_250 = arith.constant 2 : i32
        %parallel_loop3A_251 = arith.constant 0 : i32
        %parallel_loop3A_252 = arith.constant 0 : i32
        %parallel_loop3A_253 = tpu.memref_slice %arg12[%parallel_loop3A_250, %parallel_loop3A_251, %parallel_loop3A_252] : memref<4x100x64xf32, #tpu.memory_space<vmem>> -> memref<1x100x64xf32, #tpu.memory_space<vmem>>
        %parallel_loop3A_254 = tpu.memref_squeeze %parallel_loop3A_253 : memref<1x100x64xf32, #tpu.memory_space<vmem>> -> memref<100x64xf32, #tpu.memory_space<vmem>>
        %parallel_loop3A_255 = arith.index_cast %parallel_loop3A_111 : i32 to index
        %parallel_loop3A_256 = arith.constant 32 : index
        %parallel_loop3A_257 = tpu.vector_load %parallel_loop3A_254[%parallel_loop3A_255, %parallel_loop3A_256] {strides = array<i32>} : memref<100x64xf32, #tpu.memory_space<vmem>>, vector<16xf32>,
        tpu.vector_store %parallel_loop3A_254[%parallel_loop3A_255, %parallel_loop3A_256], %parallel_loop3A_249 {strides = array<i32>} : memref<100x64xf32, #tpu.memory_space<vmem>>, vector<16xf32>,
        %parallel_loop3A_258 = arith.mulf %parallel_loop3A_227, %get3A_19 : vector<16xf32>
        %parallel_loop3A_259 = arith.addf %parallel_loop3A_258, %parallel_loop3A_135 : vector<16xf32>
        %parallel_loop3A_260 = arith.constant 2 : i32
        %parallel_loop3A_261 = arith.constant 0 : i32
        %parallel_loop3A_262 = arith.constant 0 : i32
        %parallel_loop3A_263 = tpu.memref_slice %arg12[%parallel_loop3A_260, %parallel_loop3A_261, %parallel_loop3A_262] : memref<4x100x64xf32, #tpu.memory_space<vmem>> -> memref<1x100x64xf32, #tpu.memory_space<vmem>>
        %parallel_loop3A_264 = tpu.memref_squeeze %parallel_loop3A_263 : memref<1x100x64xf32, #tpu.memory_space<vmem>> -> memref<100x64xf32, #tpu.memory_space<vmem>>
        %parallel_loop3A_265 = arith.index_cast %parallel_loop3A_111 : i32 to index
        %parallel_loop3A_266 = arith.constant 48 : index
        %parallel_loop3A_267 = tpu.vector_load %parallel_loop3A_264[%parallel_loop3A_265, %parallel_loop3A_266] {strides = array<i32>} : memref<100x64xf32, #tpu.memory_space<vmem>>, vector<16xf32>,
        tpu.vector_store %parallel_loop3A_264[%parallel_loop3A_265, %parallel_loop3A_266], %parallel_loop3A_259 {strides = array<i32>} : memref<100x64xf32, #tpu.memory_space<vmem>>, vector<16xf32>,
        %parallel_loop3A_268 = arith.constant 308 : i32
        %parallel_loop3A_269 = arith.addi %parallel_loop3A_268, %parallel_loop3A_111 : i32
        %parallel_loop3A_270 = vector.broadcast %parallel_loop3A_269 : i32 to vector<16xi32>
        %parallel_loop3A_271 = tpu.vector_load_idx %arg10[%parallel_loop3A_270] : memref<408xf32, #tpu.memory_space<vmem>>[vector<16xi32>], vector<16xf32>,
        %parallel_loop3A_272 = arith.mulf %parallel_loop3A_271, %get3A_13 : vector<16xf32>
        %parallel_loop3A_273 = arith.addf %parallel_loop3A_272, %parallel_loop3A_117 : vector<16xf32>
        %parallel_loop3A_274 = arith.constant 3 : i32
        %parallel_loop3A_275 = arith.constant 0 : i32
        %parallel_loop3A_276 = arith.constant 0 : i32
        %parallel_loop3A_277 = tpu.memref_slice %arg12[%parallel_loop3A_274, %parallel_loop3A_275, %parallel_loop3A_276] : memref<4x100x64xf32, #tpu.memory_space<vmem>> -> memref<1x100x64xf32, #tpu.memory_space<vmem>>
        %parallel_loop3A_278 = tpu.memref_squeeze %parallel_loop3A_277 : memref<1x100x64xf32, #tpu.memory_space<vmem>> -> memref<100x64xf32, #tpu.memory_space<vmem>>
        %parallel_loop3A_279 = arith.index_cast %parallel_loop3A_111 : i32 to index
        %parallel_loop3A_280 = arith.constant 0 : index
        %parallel_loop3A_281 = tpu.vector_load %parallel_loop3A_278[%parallel_loop3A_279, %parallel_loop3A_280] {strides = array<i32>} : memref<100x64xf32, #tpu.memory_space<vmem>>, vector<16xf32>,
        tpu.vector_store %parallel_loop3A_278[%parallel_loop3A_279, %parallel_loop3A_280], %parallel_loop3A_273 {strides = array<i32>} : memref<100x64xf32, #tpu.memory_space<vmem>>, vector<16xf32>,
        %parallel_loop3A_282 = arith.mulf %parallel_loop3A_271, %get3A_15 : vector<16xf32>
        %parallel_loop3A_283 = arith.addf %parallel_loop3A_282, %parallel_loop3A_123 : vector<16xf32>
        %parallel_loop3A_284 = arith.constant 3 : i32
        %parallel_loop3A_285 = arith.constant 0 : i32
        %parallel_loop3A_286 = arith.constant 0 : i32
        %parallel_loop3A_287 = tpu.memref_slice %arg12[%parallel_loop3A_284, %parallel_loop3A_285, %parallel_loop3A_286] : memref<4x100x64xf32, #tpu.memory_space<vmem>> -> memref<1x100x64xf32, #tpu.memory_space<vmem>>
        %parallel_loop3A_288 = tpu.memref_squeeze %parallel_loop3A_287 : memref<1x100x64xf32, #tpu.memory_space<vmem>> -> memref<100x64xf32, #tpu.memory_space<vmem>>
        %parallel_loop3A_289 = arith.index_cast %parallel_loop3A_111 : i32 to index
        %parallel_loop3A_290 = arith.constant 16 : index
        %parallel_loop3A_291 = tpu.vector_load %parallel_loop3A_288[%parallel_loop3A_289, %parallel_loop3A_290] {strides = array<i32>} : memref<100x64xf32, #tpu.memory_space<vmem>>, vector<16xf32>,
        tpu.vector_store %parallel_loop3A_288[%parallel_loop3A_289, %parallel_loop3A_290], %parallel_loop3A_283 {strides = array<i32>} : memref<100x64xf32, #tpu.memory_space<vmem>>, vector<16xf32>,
        %parallel_loop3A_292 = arith.mulf %parallel_loop3A_271, %get3A_17 : vector<16xf32>
        %parallel_loop3A_293 = arith.addf %parallel_loop3A_292, %parallel_loop3A_129 : vector<16xf32>
        %parallel_loop3A_294 = arith.constant 3 : i32
        %parallel_loop3A_295 = arith.constant 0 : i32
        %parallel_loop3A_296 = arith.constant 0 : i32
        %parallel_loop3A_297 = tpu.memref_slice %arg12[%parallel_loop3A_294, %parallel_loop3A_295, %parallel_loop3A_296] : memref<4x100x64xf32, #tpu.memory_space<vmem>> -> memref<1x100x64xf32, #tpu.memory_space<vmem>>
        %parallel_loop3A_298 = tpu.memref_squeeze %parallel_loop3A_297 : memref<1x100x64xf32, #tpu.memory_space<vmem>> -> memref<100x64xf32, #tpu.memory_space<vmem>>
        %parallel_loop3A_299 = arith.index_cast %parallel_loop3A_111 : i32 to index
        %parallel_loop3A_300 = arith.constant 32 : index
        %parallel_loop3A_301 = tpu.vector_load %parallel_loop3A_298[%parallel_loop3A_299, %parallel_loop3A_300] {strides = array<i32>} : memref<100x64xf32, #tpu.memory_space<vmem>>, vector<16xf32>,
        tpu.vector_store %parallel_loop3A_298[%parallel_loop3A_299, %parallel_loop3A_300], %parallel_loop3A_293 {strides = array<i32>} : memref<100x64xf32, #tpu.memory_space<vmem>>, vector<16xf32>,
        %parallel_loop3A_302 = arith.mulf %parallel_loop3A_271, %get3A_19 : vector<16xf32>
        %parallel_loop3A_303 = arith.addf %parallel_loop3A_302, %parallel_loop3A_135 : vector<16xf32>
        %parallel_loop3A_304 = arith.constant 3 : i32
        %parallel_loop3A_305 = arith.constant 0 : i32
        %parallel_loop3A_306 = arith.constant 0 : i32
        %parallel_loop3A_307 = tpu.memref_slice %arg12[%parallel_loop3A_304, %parallel_loop3A_305, %parallel_loop3A_306] : memref<4x100x64xf32, #tpu.memory_space<vmem>> -> memref<1x100x64xf32, #tpu.memory_space<vmem>>
        %parallel_loop3A_308 = tpu.memref_squeeze %parallel_loop3A_307 : memref<1x100x64xf32, #tpu.memory_space<vmem>> -> memref<100x64xf32, #tpu.memory_space<vmem>>
        %parallel_loop3A_309 = arith.index_cast %parallel_loop3A_111 : i32 to index
        %parallel_loop3A_310 = arith.constant 48 : index
        %parallel_loop3A_311 = tpu.vector_load %parallel_loop3A_308[%parallel_loop3A_309, %parallel_loop3A_310] {strides = array<i32>} : memref<100x64xf32, #tpu.memory_space<vmem>>, vector<16xf32>,
        tpu.vector_store %parallel_loop3A_308[%parallel_loop3A_309, %parallel_loop3A_310], %parallel_loop3A_303 {strides = array<i32>} : memref<100x64xf32, #tpu.memory_space<vmem>>, vector<16xf32>,
      } {sc.loop_unroll_factor = 2 : i64, sc.parallel_access}
      %add3A_68 = arith.addi %mul3A_4, %add3A_56 : i32
      %dma_start3A_69 = arith.constant 0 : i32
      %dma_start3A_70 = arith.constant 0 : i32
      %dma_start3A_71 = tpu.memref_slice %arg6[%add3A_68, %dma_start3A_69, %dma_start3A_70] : memref<16384x100x64xf32, #tpu.memory_space<hbm>> -> memref<4x100x64xf32, #tpu.memory_space<hbm>>
      %dma_start3A_72 = arith.constant 0 : i32
      %dma_start3A_73 = arith.constant 0 : i32
      %dma_start3A_74 = tpu.memref_slice %arg6[%add3A_68, %dma_start3A_72, %dma_start3A_73] : memref<16384x100x64xf32, #tpu.memory_space<hbm>> -> memref<4x100x64xf32, #tpu.memory_space<hbm>>
      tpu.enqueue_dma source(%arg12 : memref<4x100x64xf32, #tpu.memory_space<vmem>>) target(%dma_start3A_74 : memref<4x100x64xf32, #tpu.memory_space<hbm>>) target_semaphore(%arg16 : memref<!tpu.dma_semaphore, #tpu.memory_space<semaphore_mem>>)
      %add3A_75 = arith.constant 8 : i32
      %add3A_76 = arith.addi %add3A_56, %add3A_75 : i32
      %lt3A = arith.constant 512 : i32
      %lt3A_77 = arith.cmpi slt, %add3A_76, %lt3A : i32
      %convert_element_type3A_78 = arith.extui %lt3A_77 : i1 to i32
      %cond3A_79 = arith.constant 0 : i32
      %cond3A_80 = arith.cmpi ne, %convert_element_type3A_78, %cond3A_79 : i32
      scf.if %cond3A_80 {
        %add3A_111 = arith.constant 8 : i32
        %add3A_112 = arith.addi %add3A_56, %add3A_111 : i32
        %mul3A_113 = arith.constant 100 : i32
        %mul3A_114 = arith.muli %add3A_112, %mul3A_113 : i32
        %add3A_115 = arith.addi %mul3A_2, %mul3A_114 : i32
        %dma_start3A_116 = arith.constant 8 : i32
        %dma_start3A_117 = tpu.memref_slice %arg10[%dma_start3A_116] : memref<408xf32, #tpu.memory_space<vmem>> -> memref<400xf32, #tpu.memory_space<vmem>>
        %dma_start3A_118 = tpu.memref_slice %arg2[%add3A_115] : memref<1638400xf32, #tpu.memory_space<hbm>> -> memref<400xf32, #tpu.memory_space<hbm>>
        %dma_start3A_119 = arith.constant 8 : i32
        %dma_start3A_120 = tpu.memref_slice %arg10[%dma_start3A_119] : memref<408xf32, #tpu.memory_space<vmem>> -> memref<400xf32, #tpu.memory_space<vmem>>
        %dma_start3A_121 = tpu.memref_slice %arg2[%add3A_115] : memref<1638400xf32, #tpu.memory_space<hbm>> -> memref<400xf32, #tpu.memory_space<hbm>>
        tpu.enqueue_dma source(%dma_start3A_121 : memref<400xf32, #tpu.memory_space<hbm>>) target(%dma_start3A_120 : memref<400xf32, #tpu.memory_space<vmem>>) target_semaphore(%arg14 : memref<!tpu.dma_semaphore, #tpu.memory_space<semaphore_mem>>)
      } else {
      }
      %add3A_81 = arith.constant 4 : i32
      %add3A_82 = arith.addi %add3A_54, %add3A_81 : i32
      %dma_wait3A_83 = arith.constant 8 : i32
      %dma_wait3A_84 = tpu.memref_slice %arg11[%dma_wait3A_83] : memref<408xf32, #tpu.memory_space<vmem>> -> memref<400xf32, #tpu.memory_space<vmem>>
      %dma_wait3A_85 = tpu.memref_slice %arg2[%mul3A_2] : memref<1638400xf32, #tpu.memory_space<hbm>> -> memref<400xf32, #tpu.memory_space<hbm>>
      %dma_wait3A_86 = arith.constant 8 : i32
      %dma_wait3A_87 = tpu.memref_slice %arg11[%dma_wait3A_86] : memref<408xf32, #tpu.memory_space<vmem>> -> memref<400xf32, #tpu.memory_space<vmem>>
      %dma_wait3A_88 = tpu.memref_slice %arg2[%mul3A_2] : memref<1638400xf32, #tpu.memory_space<hbm>> -> memref<400xf32, #tpu.memory_space<hbm>>
      tpu.wait_dma2 semaphore(%arg15 : memref<!tpu.dma_semaphore, #tpu.memory_space<semaphore_mem>>) src(%dma_wait3A_88 : memref<400xf32, #tpu.memory_space<hbm>>) dst(%dma_wait3A_87 : memref<400xf32, #tpu.memory_space<vmem>>)
      %ge3A_89 = arith.constant 8 : i32
      %ge3A_90 = arith.cmpi sge, %add3A_82, %ge3A_89 : i32
      %convert_element_type3A_91 = arith.extui %ge3A_90 : i1 to i32
      %cond3A_92 = arith.constant 0 : i32
      %cond3A_93 = arith.cmpi ne, %convert_element_type3A_91, %cond3A_92 : i32
      scf.if %cond3A_93 {
        %dma_wait3A_111 = arith.constant 0 : i32
        %dma_wait3A_112 = arith.constant 0 : i32
        %dma_wait3A_113 = tpu.memref_slice %arg6[%mul3A_4, %dma_wait3A_111, %dma_wait3A_112] : memref<16384x100x64xf32, #tpu.memory_space<hbm>> -> memref<4x100x64xf32, #tpu.memory_space<hbm>>
        %dma_wait3A_114 = arith.constant 0 : i32
        %dma_wait3A_115 = arith.constant 0 : i32
        %dma_wait3A_116 = tpu.memref_slice %arg6[%mul3A_4, %dma_wait3A_114, %dma_wait3A_115] : memref<16384x100x64xf32, #tpu.memory_space<hbm>> -> memref<4x100x64xf32, #tpu.memory_space<hbm>>
        tpu.wait_dma2 semaphore(%arg17 : memref<!tpu.dma_semaphore, #tpu.memory_space<semaphore_mem>>) src(%arg13 : memref<4x100x64xf32, #tpu.memory_space<vmem>>) dst(%dma_wait3A_116 : memref<4x100x64xf32, #tpu.memory_space<hbm>>)
      } else {
      }
      %parallel_loop3A_94 = arith.constant 0 : i32
      %parallel_loop3A_95 = arith.constant 100 : i32
      %parallel_loop3A_96 = arith.constant 1 : i32
      scf.for %parallel_loop3A_111 = %parallel_loop3A_94 to %parallel_loop3A_95 step %parallel_loop3A_96  : i32 {
        %parallel_loop3A_112 = arith.constant 64 : i32
        %parallel_loop3A_113 = arith.muli %parallel_loop3A_111, %parallel_loop3A_112 : i32
        %parallel_loop3A_114 = arith.constant 0 : i32
        %parallel_loop3A_115 = arith.addi %parallel_loop3A_113, %parallel_loop3A_114 : i32
        %parallel_loop3A_116 = arith.index_cast %parallel_loop3A_115 : i32 to index
        %parallel_loop3A_117 = tpu.vector_load %arg7[%parallel_loop3A_116] {strides = array<i32>} : memref<6400xf32, #tpu.memory_space<vmem>>, vector<16xf32>,
        %parallel_loop3A_118 = arith.constant 64 : i32
        %parallel_loop3A_119 = arith.muli %parallel_loop3A_111, %parallel_loop3A_118 : i32
        %parallel_loop3A_120 = arith.constant 16 : i32
        %parallel_loop3A_121 = arith.addi %parallel_loop3A_119, %parallel_loop3A_120 : i32
        %parallel_loop3A_122 = arith.index_cast %parallel_loop3A_121 : i32 to index
        %parallel_loop3A_123 = tpu.vector_load %arg7[%parallel_loop3A_122] {strides = array<i32>} : memref<6400xf32, #tpu.memory_space<vmem>>, vector<16xf32>,
        %parallel_loop3A_124 = arith.constant 64 : i32
        %parallel_loop3A_125 = arith.muli %parallel_loop3A_111, %parallel_loop3A_124 : i32
        %parallel_loop3A_126 = arith.constant 32 : i32
        %parallel_loop3A_127 = arith.addi %parallel_loop3A_125, %parallel_loop3A_126 : i32
        %parallel_loop3A_128 = arith.index_cast %parallel_loop3A_127 : i32 to index
        %parallel_loop3A_129 = tpu.vector_load %arg7[%parallel_loop3A_128] {strides = array<i32>} : memref<6400xf32, #tpu.memory_space<vmem>>, vector<16xf32>,
        %parallel_loop3A_130 = arith.constant 64 : i32
        %parallel_loop3A_131 = arith.muli %parallel_loop3A_111, %parallel_loop3A_130 : i32
        %parallel_loop3A_132 = arith.constant 48 : i32
        %parallel_loop3A_133 = arith.addi %parallel_loop3A_131, %parallel_loop3A_132 : i32
        %parallel_loop3A_134 = arith.index_cast %parallel_loop3A_133 : i32 to index
        %parallel_loop3A_135 = tpu.vector_load %arg7[%parallel_loop3A_134] {strides = array<i32>} : memref<6400xf32, #tpu.memory_space<vmem>>, vector<16xf32>,
        %parallel_loop3A_136 = arith.constant 8 : i32
        %parallel_loop3A_137 = arith.addi %parallel_loop3A_136, %parallel_loop3A_111 : i32
        %parallel_loop3A_138 = vector.broadcast %parallel_loop3A_137 : i32 to vector<16xi32>
        %parallel_loop3A_139 = tpu.vector_load_idx %arg11[%parallel_loop3A_138] : memref<408xf32, #tpu.memory_space<vmem>>[vector<16xi32>], vector<16xf32>,
        %parallel_loop3A_140 = arith.mulf %parallel_loop3A_139, %get3A_13 : vector<16xf32>
        %parallel_loop3A_141 = arith.addf %parallel_loop3A_140, %parallel_loop3A_117 : vector<16xf32>
        %parallel_loop3A_142 = arith.constant 0 : i32
        %parallel_loop3A_143 = arith.constant 0 : i32
        %parallel_loop3A_144 = arith.constant 0 : i32
        %parallel_loop3A_145 = tpu.memref_slice %arg13[%parallel_loop3A_142, %parallel_loop3A_143, %parallel_loop3A_144] : memref<4x100x64xf32, #tpu.memory_space<vmem>> -> memref<1x100x64xf32, #tpu.memory_space<vmem>>
        %parallel_loop3A_146 = tpu.memref_squeeze %parallel_loop3A_145 : memref<1x100x64xf32, #tpu.memory_space<vmem>> -> memref<100x64xf32, #tpu.memory_space<vmem>>
        %parallel_loop3A_147 = arith.index_cast %parallel_loop3A_111 : i32 to index
        %parallel_loop3A_148 = arith.constant 0 : index
        %parallel_loop3A_149 = tpu.vector_load %parallel_loop3A_146[%parallel_loop3A_147, %parallel_loop3A_148] {strides = array<i32>} : memref<100x64xf32, #tpu.memory_space<vmem>>, vector<16xf32>,
        tpu.vector_store %parallel_loop3A_146[%parallel_loop3A_147, %parallel_loop3A_148], %parallel_loop3A_141 {strides = array<i32>} : memref<100x64xf32, #tpu.memory_space<vmem>>, vector<16xf32>,
        %parallel_loop3A_150 = arith.mulf %parallel_loop3A_139, %get3A_15 : vector<16xf32>
        %parallel_loop3A_151 = arith.addf %parallel_loop3A_150, %parallel_loop3A_123 : vector<16xf32>
        %parallel_loop3A_152 = arith.constant 0 : i32
        %parallel_loop3A_153 = arith.constant 0 : i32
        %parallel_loop3A_154 = arith.constant 0 : i32
        %parallel_loop3A_155 = tpu.memref_slice %arg13[%parallel_loop3A_152, %parallel_loop3A_153, %parallel_loop3A_154] : memref<4x100x64xf32, #tpu.memory_space<vmem>> -> memref<1x100x64xf32, #tpu.memory_space<vmem>>
        %parallel_loop3A_156 = tpu.memref_squeeze %parallel_loop3A_155 : memref<1x100x64xf32, #tpu.memory_space<vmem>> -> memref<100x64xf32, #tpu.memory_space<vmem>>
        %parallel_loop3A_157 = arith.index_cast %parallel_loop3A_111 : i32 to index
        %parallel_loop3A_158 = arith.constant 16 : index
        %parallel_loop3A_159 = tpu.vector_load %parallel_loop3A_156[%parallel_loop3A_157, %parallel_loop3A_158] {strides = array<i32>} : memref<100x64xf32, #tpu.memory_space<vmem>>, vector<16xf32>,
        tpu.vector_store %parallel_loop3A_156[%parallel_loop3A_157, %parallel_loop3A_158], %parallel_loop3A_151 {strides = array<i32>} : memref<100x64xf32, #tpu.memory_space<vmem>>, vector<16xf32>,
        %parallel_loop3A_160 = arith.mulf %parallel_loop3A_139, %get3A_17 : vector<16xf32>
        %parallel_loop3A_161 = arith.addf %parallel_loop3A_160, %parallel_loop3A_129 : vector<16xf32>
        %parallel_loop3A_162 = arith.constant 0 : i32
        %parallel_loop3A_163 = arith.constant 0 : i32
        %parallel_loop3A_164 = arith.constant 0 : i32
        %parallel_loop3A_165 = tpu.memref_slice %arg13[%parallel_loop3A_162, %parallel_loop3A_163, %parallel_loop3A_164] : memref<4x100x64xf32, #tpu.memory_space<vmem>> -> memref<1x100x64xf32, #tpu.memory_space<vmem>>
        %parallel_loop3A_166 = tpu.memref_squeeze %parallel_loop3A_165 : memref<1x100x64xf32, #tpu.memory_space<vmem>> -> memref<100x64xf32, #tpu.memory_space<vmem>>
        %parallel_loop3A_167 = arith.index_cast %parallel_loop3A_111 : i32 to index
        %parallel_loop3A_168 = arith.constant 32 : index
        %parallel_loop3A_169 = tpu.vector_load %parallel_loop3A_166[%parallel_loop3A_167, %parallel_loop3A_168] {strides = array<i32>} : memref<100x64xf32, #tpu.memory_space<vmem>>, vector<16xf32>,
        tpu.vector_store %parallel_loop3A_166[%parallel_loop3A_167, %parallel_loop3A_168], %parallel_loop3A_161 {strides = array<i32>} : memref<100x64xf32, #tpu.memory_space<vmem>>, vector<16xf32>,
        %parallel_loop3A_170 = arith.mulf %parallel_loop3A_139, %get3A_19 : vector<16xf32>
        %parallel_loop3A_171 = arith.addf %parallel_loop3A_170, %parallel_loop3A_135 : vector<16xf32>
        %parallel_loop3A_172 = arith.constant 0 : i32
        %parallel_loop3A_173 = arith.constant 0 : i32
        %parallel_loop3A_174 = arith.constant 0 : i32
        %parallel_loop3A_175 = tpu.memref_slice %arg13[%parallel_loop3A_172, %parallel_loop3A_173, %parallel_loop3A_174] : memref<4x100x64xf32, #tpu.memory_space<vmem>> -> memref<1x100x64xf32, #tpu.memory_space<vmem>>
        %parallel_loop3A_176 = tpu.memref_squeeze %parallel_loop3A_175 : memref<1x100x64xf32, #tpu.memory_space<vmem>> -> memref<100x64xf32, #tpu.memory_space<vmem>>
        %parallel_loop3A_177 = arith.index_cast %parallel_loop3A_111 : i32 to index
        %parallel_loop3A_178 = arith.constant 48 : index
        %parallel_loop3A_179 = tpu.vector_load %parallel_loop3A_176[%parallel_loop3A_177, %parallel_loop3A_178] {strides = array<i32>} : memref<100x64xf32, #tpu.memory_space<vmem>>, vector<16xf32>,
        tpu.vector_store %parallel_loop3A_176[%parallel_loop3A_177, %parallel_loop3A_178], %parallel_loop3A_171 {strides = array<i32>} : memref<100x64xf32, #tpu.memory_space<vmem>>, vector<16xf32>,
        %parallel_loop3A_180 = arith.constant 108 : i32
        %parallel_loop3A_181 = arith.addi %parallel_loop3A_180, %parallel_loop3A_111 : i32
        %parallel_loop3A_182 = vector.broadcast %parallel_loop3A_181 : i32 to vector<16xi32>
        %parallel_loop3A_183 = tpu.vector_load_idx %arg11[%parallel_loop3A_182] : memref<408xf32, #tpu.memory_space<vmem>>[vector<16xi32>], vector<16xf32>,
        %parallel_loop3A_184 = arith.mulf %parallel_loop3A_183, %get3A_13 : vector<16xf32>
        %parallel_loop3A_185 = arith.addf %parallel_loop3A_184, %parallel_loop3A_117 : vector<16xf32>
        %parallel_loop3A_186 = arith.constant 1 : i32
        %parallel_loop3A_187 = arith.constant 0 : i32
        %parallel_loop3A_188 = arith.constant 0 : i32
        %parallel_loop3A_189 = tpu.memref_slice %arg13[%parallel_loop3A_186, %parallel_loop3A_187, %parallel_loop3A_188] : memref<4x100x64xf32, #tpu.memory_space<vmem>> -> memref<1x100x64xf32, #tpu.memory_space<vmem>>
        %parallel_loop3A_190 = tpu.memref_squeeze %parallel_loop3A_189 : memref<1x100x64xf32, #tpu.memory_space<vmem>> -> memref<100x64xf32, #tpu.memory_space<vmem>>
        %parallel_loop3A_191 = arith.index_cast %parallel_loop3A_111 : i32 to index
        %parallel_loop3A_192 = arith.constant 0 : index
        %parallel_loop3A_193 = tpu.vector_load %parallel_loop3A_190[%parallel_loop3A_191, %parallel_loop3A_192] {strides = array<i32>} : memref<100x64xf32, #tpu.memory_space<vmem>>, vector<16xf32>,
        tpu.vector_store %parallel_loop3A_190[%parallel_loop3A_191, %parallel_loop3A_192], %parallel_loop3A_185 {strides = array<i32>} : memref<100x64xf32, #tpu.memory_space<vmem>>, vector<16xf32>,
        %parallel_loop3A_194 = arith.mulf %parallel_loop3A_183, %get3A_15 : vector<16xf32>
        %parallel_loop3A_195 = arith.addf %parallel_loop3A_194, %parallel_loop3A_123 : vector<16xf32>
        %parallel_loop3A_196 = arith.constant 1 : i32
        %parallel_loop3A_197 = arith.constant 0 : i32
        %parallel_loop3A_198 = arith.constant 0 : i32
        %parallel_loop3A_199 = tpu.memref_slice %arg13[%parallel_loop3A_196, %parallel_loop3A_197, %parallel_loop3A_198] : memref<4x100x64xf32, #tpu.memory_space<vmem>> -> memref<1x100x64xf32, #tpu.memory_space<vmem>>
        %parallel_loop3A_200 = tpu.memref_squeeze %parallel_loop3A_199 : memref<1x100x64xf32, #tpu.memory_space<vmem>> -> memref<100x64xf32, #tpu.memory_space<vmem>>
        %parallel_loop3A_201 = arith.index_cast %parallel_loop3A_111 : i32 to index
        %parallel_loop3A_202 = arith.constant 16 : index
        %parallel_loop3A_203 = tpu.vector_load %parallel_loop3A_200[%parallel_loop3A_201, %parallel_loop3A_202] {strides = array<i32>} : memref<100x64xf32, #tpu.memory_space<vmem>>, vector<16xf32>,
        tpu.vector_store %parallel_loop3A_200[%parallel_loop3A_201, %parallel_loop3A_202], %parallel_loop3A_195 {strides = array<i32>} : memref<100x64xf32, #tpu.memory_space<vmem>>, vector<16xf32>,
        %parallel_loop3A_204 = arith.mulf %parallel_loop3A_183, %get3A_17 : vector<16xf32>
        %parallel_loop3A_205 = arith.addf %parallel_loop3A_204, %parallel_loop3A_129 : vector<16xf32>
        %parallel_loop3A_206 = arith.constant 1 : i32
        %parallel_loop3A_207 = arith.constant 0 : i32
        %parallel_loop3A_208 = arith.constant 0 : i32
        %parallel_loop3A_209 = tpu.memref_slice %arg13[%parallel_loop3A_206, %parallel_loop3A_207, %parallel_loop3A_208] : memref<4x100x64xf32, #tpu.memory_space<vmem>> -> memref<1x100x64xf32, #tpu.memory_space<vmem>>
        %parallel_loop3A_210 = tpu.memref_squeeze %parallel_loop3A_209 : memref<1x100x64xf32, #tpu.memory_space<vmem>> -> memref<100x64xf32, #tpu.memory_space<vmem>>
        %parallel_loop3A_211 = arith.index_cast %parallel_loop3A_111 : i32 to index
        %parallel_loop3A_212 = arith.constant 32 : index
        %parallel_loop3A_213 = tpu.vector_load %parallel_loop3A_210[%parallel_loop3A_211, %parallel_loop3A_212] {strides = array<i32>} : memref<100x64xf32, #tpu.memory_space<vmem>>, vector<16xf32>,
        tpu.vector_store %parallel_loop3A_210[%parallel_loop3A_211, %parallel_loop3A_212], %parallel_loop3A_205 {strides = array<i32>} : memref<100x64xf32, #tpu.memory_space<vmem>>, vector<16xf32>,
        %parallel_loop3A_214 = arith.mulf %parallel_loop3A_183, %get3A_19 : vector<16xf32>
        %parallel_loop3A_215 = arith.addf %parallel_loop3A_214, %parallel_loop3A_135 : vector<16xf32>
        %parallel_loop3A_216 = arith.constant 1 : i32
        %parallel_loop3A_217 = arith.constant 0 : i32
        %parallel_loop3A_218 = arith.constant 0 : i32
        %parallel_loop3A_219 = tpu.memref_slice %arg13[%parallel_loop3A_216, %parallel_loop3A_217, %parallel_loop3A_218] : memref<4x100x64xf32, #tpu.memory_space<vmem>> -> memref<1x100x64xf32, #tpu.memory_space<vmem>>
        %parallel_loop3A_220 = tpu.memref_squeeze %parallel_loop3A_219 : memref<1x100x64xf32, #tpu.memory_space<vmem>> -> memref<100x64xf32, #tpu.memory_space<vmem>>
        %parallel_loop3A_221 = arith.index_cast %parallel_loop3A_111 : i32 to index
        %parallel_loop3A_222 = arith.constant 48 : index
        %parallel_loop3A_223 = tpu.vector_load %parallel_loop3A_220[%parallel_loop3A_221, %parallel_loop3A_222] {strides = array<i32>} : memref<100x64xf32, #tpu.memory_space<vmem>>, vector<16xf32>,
        tpu.vector_store %parallel_loop3A_220[%parallel_loop3A_221, %parallel_loop3A_222], %parallel_loop3A_215 {strides = array<i32>} : memref<100x64xf32, #tpu.memory_space<vmem>>, vector<16xf32>,
        %parallel_loop3A_224 = arith.constant 208 : i32
        %parallel_loop3A_225 = arith.addi %parallel_loop3A_224, %parallel_loop3A_111 : i32
        %parallel_loop3A_226 = vector.broadcast %parallel_loop3A_225 : i32 to vector<16xi32>
        %parallel_loop3A_227 = tpu.vector_load_idx %arg11[%parallel_loop3A_226] : memref<408xf32, #tpu.memory_space<vmem>>[vector<16xi32>], vector<16xf32>,
        %parallel_loop3A_228 = arith.mulf %parallel_loop3A_227, %get3A_13 : vector<16xf32>
        %parallel_loop3A_229 = arith.addf %parallel_loop3A_228, %parallel_loop3A_117 : vector<16xf32>
        %parallel_loop3A_230 = arith.constant 2 : i32
        %parallel_loop3A_231 = arith.constant 0 : i32
        %parallel_loop3A_232 = arith.constant 0 : i32
        %parallel_loop3A_233 = tpu.memref_slice %arg13[%parallel_loop3A_230, %parallel_loop3A_231, %parallel_loop3A_232] : memref<4x100x64xf32, #tpu.memory_space<vmem>> -> memref<1x100x64xf32, #tpu.memory_space<vmem>>
        %parallel_loop3A_234 = tpu.memref_squeeze %parallel_loop3A_233 : memref<1x100x64xf32, #tpu.memory_space<vmem>> -> memref<100x64xf32, #tpu.memory_space<vmem>>
        %parallel_loop3A_235 = arith.index_cast %parallel_loop3A_111 : i32 to index
        %parallel_loop3A_236 = arith.constant 0 : index
        %parallel_loop3A_237 = tpu.vector_load %parallel_loop3A_234[%parallel_loop3A_235, %parallel_loop3A_236] {strides = array<i32>} : memref<100x64xf32, #tpu.memory_space<vmem>>, vector<16xf32>,
        tpu.vector_store %parallel_loop3A_234[%parallel_loop3A_235, %parallel_loop3A_236], %parallel_loop3A_229 {strides = array<i32>} : memref<100x64xf32, #tpu.memory_space<vmem>>, vector<16xf32>,
        %parallel_loop3A_238 = arith.mulf %parallel_loop3A_227, %get3A_15 : vector<16xf32>
        %parallel_loop3A_239 = arith.addf %parallel_loop3A_238, %parallel_loop3A_123 : vector<16xf32>
        %parallel_loop3A_240 = arith.constant 2 : i32
        %parallel_loop3A_241 = arith.constant 0 : i32
        %parallel_loop3A_242 = arith.constant 0 : i32
        %parallel_loop3A_243 = tpu.memref_slice %arg13[%parallel_loop3A_240, %parallel_loop3A_241, %parallel_loop3A_242] : memref<4x100x64xf32, #tpu.memory_space<vmem>> -> memref<1x100x64xf32, #tpu.memory_space<vmem>>
        %parallel_loop3A_244 = tpu.memref_squeeze %parallel_loop3A_243 : memref<1x100x64xf32, #tpu.memory_space<vmem>> -> memref<100x64xf32, #tpu.memory_space<vmem>>
        %parallel_loop3A_245 = arith.index_cast %parallel_loop3A_111 : i32 to index
        %parallel_loop3A_246 = arith.constant 16 : index
        %parallel_loop3A_247 = tpu.vector_load %parallel_loop3A_244[%parallel_loop3A_245, %parallel_loop3A_246] {strides = array<i32>} : memref<100x64xf32, #tpu.memory_space<vmem>>, vector<16xf32>,
        tpu.vector_store %parallel_loop3A_244[%parallel_loop3A_245, %parallel_loop3A_246], %parallel_loop3A_239 {strides = array<i32>} : memref<100x64xf32, #tpu.memory_space<vmem>>, vector<16xf32>,
        %parallel_loop3A_248 = arith.mulf %parallel_loop3A_227, %get3A_17 : vector<16xf32>
        %parallel_loop3A_249 = arith.addf %parallel_loop3A_248, %parallel_loop3A_129 : vector<16xf32>
        %parallel_loop3A_250 = arith.constant 2 : i32
        %parallel_loop3A_251 = arith.constant 0 : i32
        %parallel_loop3A_252 = arith.constant 0 : i32
        %parallel_loop3A_253 = tpu.memref_slice %arg13[%parallel_loop3A_250, %parallel_loop3A_251, %parallel_loop3A_252] : memref<4x100x64xf32, #tpu.memory_space<vmem>> -> memref<1x100x64xf32, #tpu.memory_space<vmem>>
        %parallel_loop3A_254 = tpu.memref_squeeze %parallel_loop3A_253 : memref<1x100x64xf32, #tpu.memory_space<vmem>> -> memref<100x64xf32, #tpu.memory_space<vmem>>
        %parallel_loop3A_255 = arith.index_cast %parallel_loop3A_111 : i32 to index
        %parallel_loop3A_256 = arith.constant 32 : index
        %parallel_loop3A_257 = tpu.vector_load %parallel_loop3A_254[%parallel_loop3A_255, %parallel_loop3A_256] {strides = array<i32>} : memref<100x64xf32, #tpu.memory_space<vmem>>, vector<16xf32>,
        tpu.vector_store %parallel_loop3A_254[%parallel_loop3A_255, %parallel_loop3A_256], %parallel_loop3A_249 {strides = array<i32>} : memref<100x64xf32, #tpu.memory_space<vmem>>, vector<16xf32>,
        %parallel_loop3A_258 = arith.mulf %parallel_loop3A_227, %get3A_19 : vector<16xf32>
        %parallel_loop3A_259 = arith.addf %parallel_loop3A_258, %parallel_loop3A_135 : vector<16xf32>
        %parallel_loop3A_260 = arith.constant 2 : i32
        %parallel_loop3A_261 = arith.constant 0 : i32
        %parallel_loop3A_262 = arith.constant 0 : i32
        %parallel_loop3A_263 = tpu.memref_slice %arg13[%parallel_loop3A_260, %parallel_loop3A_261, %parallel_loop3A_262] : memref<4x100x64xf32, #tpu.memory_space<vmem>> -> memref<1x100x64xf32, #tpu.memory_space<vmem>>
        %parallel_loop3A_264 = tpu.memref_squeeze %parallel_loop3A_263 : memref<1x100x64xf32, #tpu.memory_space<vmem>> -> memref<100x64xf32, #tpu.memory_space<vmem>>
        %parallel_loop3A_265 = arith.index_cast %parallel_loop3A_111 : i32 to index
        %parallel_loop3A_266 = arith.constant 48 : index
        %parallel_loop3A_267 = tpu.vector_load %parallel_loop3A_264[%parallel_loop3A_265, %parallel_loop3A_266] {strides = array<i32>} : memref<100x64xf32, #tpu.memory_space<vmem>>, vector<16xf32>,
        tpu.vector_store %parallel_loop3A_264[%parallel_loop3A_265, %parallel_loop3A_266], %parallel_loop3A_259 {strides = array<i32>} : memref<100x64xf32, #tpu.memory_space<vmem>>, vector<16xf32>,
        %parallel_loop3A_268 = arith.constant 308 : i32
        %parallel_loop3A_269 = arith.addi %parallel_loop3A_268, %parallel_loop3A_111 : i32
        %parallel_loop3A_270 = vector.broadcast %parallel_loop3A_269 : i32 to vector<16xi32>
        %parallel_loop3A_271 = tpu.vector_load_idx %arg11[%parallel_loop3A_270] : memref<408xf32, #tpu.memory_space<vmem>>[vector<16xi32>], vector<16xf32>,
        %parallel_loop3A_272 = arith.mulf %parallel_loop3A_271, %get3A_13 : vector<16xf32>
        %parallel_loop3A_273 = arith.addf %parallel_loop3A_272, %parallel_loop3A_117 : vector<16xf32>
        %parallel_loop3A_274 = arith.constant 3 : i32
        %parallel_loop3A_275 = arith.constant 0 : i32
        %parallel_loop3A_276 = arith.constant 0 : i32
        %parallel_loop3A_277 = tpu.memref_slice %arg13[%parallel_loop3A_274, %parallel_loop3A_275, %parallel_loop3A_276] : memref<4x100x64xf32, #tpu.memory_space<vmem>> -> memref<1x100x64xf32, #tpu.memory_space<vmem>>
        %parallel_loop3A_278 = tpu.memref_squeeze %parallel_loop3A_277 : memref<1x100x64xf32, #tpu.memory_space<vmem>> -> memref<100x64xf32, #tpu.memory_space<vmem>>
        %parallel_loop3A_279 = arith.index_cast %parallel_loop3A_111 : i32 to index
        %parallel_loop3A_280 = arith.constant 0 : index
        %parallel_loop3A_281 = tpu.vector_load %parallel_loop3A_278[%parallel_loop3A_279, %parallel_loop3A_280] {strides = array<i32>} : memref<100x64xf32, #tpu.memory_space<vmem>>, vector<16xf32>,
        tpu.vector_store %parallel_loop3A_278[%parallel_loop3A_279, %parallel_loop3A_280], %parallel_loop3A_273 {strides = array<i32>} : memref<100x64xf32, #tpu.memory_space<vmem>>, vector<16xf32>,
        %parallel_loop3A_282 = arith.mulf %parallel_loop3A_271, %get3A_15 : vector<16xf32>
        %parallel_loop3A_283 = arith.addf %parallel_loop3A_282, %parallel_loop3A_123 : vector<16xf32>
        %parallel_loop3A_284 = arith.constant 3 : i32
        %parallel_loop3A_285 = arith.constant 0 : i32
        %parallel_loop3A_286 = arith.constant 0 : i32
        %parallel_loop3A_287 = tpu.memref_slice %arg13[%parallel_loop3A_284, %parallel_loop3A_285, %parallel_loop3A_286] : memref<4x100x64xf32, #tpu.memory_space<vmem>> -> memref<1x100x64xf32, #tpu.memory_space<vmem>>
        %parallel_loop3A_288 = tpu.memref_squeeze %parallel_loop3A_287 : memref<1x100x64xf32, #tpu.memory_space<vmem>> -> memref<100x64xf32, #tpu.memory_space<vmem>>
        %parallel_loop3A_289 = arith.index_cast %parallel_loop3A_111 : i32 to index
        %parallel_loop3A_290 = arith.constant 16 : index
        %parallel_loop3A_291 = tpu.vector_load %parallel_loop3A_288[%parallel_loop3A_289, %parallel_loop3A_290] {strides = array<i32>} : memref<100x64xf32, #tpu.memory_space<vmem>>, vector<16xf32>,
        tpu.vector_store %parallel_loop3A_288[%parallel_loop3A_289, %parallel_loop3A_290], %parallel_loop3A_283 {strides = array<i32>} : memref<100x64xf32, #tpu.memory_space<vmem>>, vector<16xf32>,
        %parallel_loop3A_292 = arith.mulf %parallel_loop3A_271, %get3A_17 : vector<16xf32>
        %parallel_loop3A_293 = arith.addf %parallel_loop3A_292, %parallel_loop3A_129 : vector<16xf32>
        %parallel_loop3A_294 = arith.constant 3 : i32
        %parallel_loop3A_295 = arith.constant 0 : i32
        %parallel_loop3A_296 = arith.constant 0 : i32
        %parallel_loop3A_297 = tpu.memref_slice %arg13[%parallel_loop3A_294, %parallel_loop3A_295, %parallel_loop3A_296] : memref<4x100x64xf32, #tpu.memory_space<vmem>> -> memref<1x100x64xf32, #tpu.memory_space<vmem>>
        %parallel_loop3A_298 = tpu.memref_squeeze %parallel_loop3A_297 : memref<1x100x64xf32, #tpu.memory_space<vmem>> -> memref<100x64xf32, #tpu.memory_space<vmem>>
        %parallel_loop3A_299 = arith.index_cast %parallel_loop3A_111 : i32 to index
        %parallel_loop3A_300 = arith.constant 32 : index
        %parallel_loop3A_301 = tpu.vector_load %parallel_loop3A_298[%parallel_loop3A_299, %parallel_loop3A_300] {strides = array<i32>} : memref<100x64xf32, #tpu.memory_space<vmem>>, vector<16xf32>,
        tpu.vector_store %parallel_loop3A_298[%parallel_loop3A_299, %parallel_loop3A_300], %parallel_loop3A_293 {strides = array<i32>} : memref<100x64xf32, #tpu.memory_space<vmem>>, vector<16xf32>,
        %parallel_loop3A_302 = arith.mulf %parallel_loop3A_271, %get3A_19 : vector<16xf32>
        %parallel_loop3A_303 = arith.addf %parallel_loop3A_302, %parallel_loop3A_135 : vector<16xf32>
        %parallel_loop3A_304 = arith.constant 3 : i32
        %parallel_loop3A_305 = arith.constant 0 : i32
        %parallel_loop3A_306 = arith.constant 0 : i32
        %parallel_loop3A_307 = tpu.memref_slice %arg13[%parallel_loop3A_304, %parallel_loop3A_305, %parallel_loop3A_306] : memref<4x100x64xf32, #tpu.memory_space<vmem>> -> memref<1x100x64xf32, #tpu.memory_space<vmem>>
        %parallel_loop3A_308 = tpu.memref_squeeze %parallel_loop3A_307 : memref<1x100x64xf32, #tpu.memory_space<vmem>> -> memref<100x64xf32, #tpu.memory_space<vmem>>
        %parallel_loop3A_309 = arith.index_cast %parallel_loop3A_111 : i32 to index
        %parallel_loop3A_310 = arith.constant 48 : index
        %parallel_loop3A_311 = tpu.vector_load %parallel_loop3A_308[%parallel_loop3A_309, %parallel_loop3A_310] {strides = array<i32>} : memref<100x64xf32, #tpu.memory_space<vmem>>, vector<16xf32>,
        tpu.vector_store %parallel_loop3A_308[%parallel_loop3A_309, %parallel_loop3A_310], %parallel_loop3A_303 {strides = array<i32>} : memref<100x64xf32, #tpu.memory_space<vmem>>, vector<16xf32>,
      } {sc.loop_unroll_factor = 2 : i64, sc.parallel_access}
      %add3A_97 = arith.addi %mul3A_4, %add3A_82 : i32
      %dma_start3A_98 = arith.constant 0 : i32
      %dma_start3A_99 = arith.constant 0 : i32
      %dma_start3A_100 = tpu.memref_slice %arg6[%add3A_97, %dma_start3A_98, %dma_start3A_99] : memref<16384x100x64xf32, #tpu.memory_space<hbm>> -> memref<4x100x64xf32, #tpu.memory_space<hbm>>
      %dma_start3A_101 = arith.constant 0 : i32
      %dma_start3A_102 = arith.constant 0 : i32
      %dma_start3A_103 = tpu.memref_slice %arg6[%add3A_97, %dma_start3A_101, %dma_start3A_102] : memref<16384x100x64xf32, #tpu.memory_space<hbm>> -> memref<4x100x64xf32, #tpu.memory_space<hbm>>
      tpu.enqueue_dma source(%arg13 : memref<4x100x64xf32, #tpu.memory_space<vmem>>) target(%dma_start3A_103 : memref<4x100x64xf32, #tpu.memory_space<hbm>>) target_semaphore(%arg17 : memref<!tpu.dma_semaphore, #tpu.memory_space<semaphore_mem>>)
      %add3A_104 = arith.constant 8 : i32
      %add3A_105 = arith.addi %add3A_82, %add3A_104 : i32
      %lt3A_106 = arith.constant 512 : i32
      %lt3A_107 = arith.cmpi slt, %add3A_105, %lt3A_106 : i32
      %convert_element_type3A_108 = arith.extui %lt3A_107 : i1 to i32
      %cond3A_109 = arith.constant 0 : i32
      %cond3A_110 = arith.cmpi ne, %convert_element_type3A_108, %cond3A_109 : i32
      scf.if %cond3A_110 {
        %add3A_111 = arith.constant 8 : i32
        %add3A_112 = arith.addi %add3A_82, %add3A_111 : i32
        %mul3A_113 = arith.constant 100 : i32
        %mul3A_114 = arith.muli %add3A_112, %mul3A_113 : i32
        %add3A_115 = arith.addi %mul3A_2, %mul3A_114 : i32
        %dma_start3A_116 = arith.constant 8 : i32
        %dma_start3A_117 = tpu.memref_slice %arg11[%dma_start3A_116] : memref<408xf32, #tpu.memory_space<vmem>> -> memref<400xf32, #tpu.memory_space<vmem>>
        %dma_start3A_118 = tpu.memref_slice %arg2[%add3A_115] : memref<1638400xf32, #tpu.memory_space<hbm>> -> memref<400xf32, #tpu.memory_space<hbm>>
        %dma_start3A_119 = arith.constant 8 : i32
        %dma_start3A_120 = tpu.memref_slice %arg11[%dma_start3A_119] : memref<408xf32, #tpu.memory_space<vmem>> -> memref<400xf32, #tpu.memory_space<vmem>>
        %dma_start3A_121 = tpu.memref_slice %arg2[%add3A_115] : memref<1638400xf32, #tpu.memory_space<hbm>> -> memref<400xf32, #tpu.memory_space<hbm>>
        tpu.enqueue_dma source(%dma_start3A_121 : memref<400xf32, #tpu.memory_space<hbm>>) target(%dma_start3A_120 : memref<400xf32, #tpu.memory_space<vmem>>) target_semaphore(%arg15 : memref<!tpu.dma_semaphore, #tpu.memory_space<semaphore_mem>>)
      } else {
      }
    }
    %scan3A_38 = arith.constant 64 : i32
    %dma_wait3A = arith.constant 0 : i32
    %dma_wait3A_39 = arith.constant 0 : i32
    %dma_wait3A_40 = tpu.memref_slice %arg6[%mul3A_4, %dma_wait3A, %dma_wait3A_39] : memref<16384x100x64xf32, #tpu.memory_space<hbm>> -> memref<4x100x64xf32, #tpu.memory_space<hbm>>
    %dma_wait3A_41 = arith.constant 0 : i32
    %dma_wait3A_42 = arith.constant 0 : i32
    %dma_wait3A_43 = tpu.memref_slice %arg6[%mul3A_4, %dma_wait3A_41, %dma_wait3A_42] : memref<16384x100x64xf32, #tpu.memory_space<hbm>> -> memref<4x100x64xf32, #tpu.memory_space<hbm>>
    tpu.wait_dma2 semaphore(%arg16 : memref<!tpu.dma_semaphore, #tpu.memory_space<semaphore_mem>>) src(%arg12 : memref<4x100x64xf32, #tpu.memory_space<vmem>>) dst(%dma_wait3A_43 : memref<4x100x64xf32, #tpu.memory_space<hbm>>)
    %dma_wait3A_44 = arith.constant 0 : i32
    %dma_wait3A_45 = arith.constant 0 : i32
    %dma_wait3A_46 = tpu.memref_slice %arg6[%mul3A_4, %dma_wait3A_44, %dma_wait3A_45] : memref<16384x100x64xf32, #tpu.memory_space<hbm>> -> memref<4x100x64xf32, #tpu.memory_space<hbm>>
    %dma_wait3A_47 = arith.constant 0 : i32
    %dma_wait3A_48 = arith.constant 0 : i32
    %dma_wait3A_49 = tpu.memref_slice %arg6[%mul3A_4, %dma_wait3A_47, %dma_wait3A_48] : memref<16384x100x64xf32, #tpu.memory_space<hbm>> -> memref<4x100x64xf32, #tpu.memory_space<hbm>>
    tpu.wait_dma2 semaphore(%arg17 : memref<!tpu.dma_semaphore, #tpu.memory_space<semaphore_mem>>) src(%arg13 : memref<4x100x64xf32, #tpu.memory_space<vmem>>) dst(%dma_wait3A_49 : memref<4x100x64xf32, #tpu.memory_space<hbm>>)
    return
  }
}

</mosaic_0001>

<sc_bundles>
// kernel: kernel.3.cloned.1.call-start
scs
__scs_entry_jumppad:
0x0: {  	(pc) =	sbr.rel $0x88, $3  }
0x1: {  	(tag) =	ssettag $0x0;
	lr =	simm.s32 $0x1  }
0x2: {  	[smem:$0x3F9D] =	sst lr;
	_ =	strace $0xD0000000  }
0x3: {  	_ = 	snop  }
0x4: {  	_ = 	snop  }
0x5: {  	_ = 	snop  }
0x6: {  	_ = 	snop  }
0x7: {  	_ = 	snop  }
__scs_overlays_trampoline_lowered:
0x8: {  	[smem:$0x3FAC] =	sst s0  }
0x9: {  	[smem:$0x3FAD] =	sst s1  }
0xa: {  	[smem:$0x3FAE] =	sst s2  }
0xb: {  	[smem:$0x3FAF] =	sst s3  }
0xc: {  	[smem:$0x3FB0] =	sst s4  }
0xd: {  	[smem:$0x3FB1] =	sst s5  }
0xe: {  	[smem:$0x3FB2] =	sst s6  }
0xf: {  	[smem:$0x3FB3] =	sst s7  }
0x10: {  	[smem:$0x3FB4] =	sst s8  }
0x11: {  	[smem:$0x3FB5] =	sst s9;
	s0 =	simm.s32 @!p0 $0x0  }
0x12: {  	s1 =	sld [smem:$0x3F9B];
	s0 =	simm.s32 @p0 $0x1  }
0x13: {  	[smem:$0x3FB6] =	sst s0;
	s0 =	simm.s32 @!p1 $0x0  }
0x14: {  	s2 =	sld [smem:$0x3F9A];
	s0 =	simm.s32 @p1 $0x1  }
0x15: {  	[smem:$0x3FB7] =	sst s0;
	s0 =	simm.s32 @!p2 $0x0  }
0x16: {  	s3 =	sld [smem:$0x3FDB];
	s0 =	simm.s32 @p2 $0x1  }
0x17: {  	s4 =	simm.s32 $0x1BF5;
	[smem:$0x3FB9] =	sst s0  }
0x18: {  	s0 =	sld [smem:$0x3F9C];
	_ =	swait.ge [sflag:s4], $0x0  }
0x19: {  	s7 =	sld [smem:$0x3F9D]  }
0x1a: {  	s8 =	sadd.s32 $0xFFFFE003, lr  }
0x1b: {  	s9 =	sadd.s32 $0xFFFFFEF7, lr;
	s5 =	simm.s32 $0xFFFFFFFF;
	p2 =	slt.u32 s8, $0xFFFFF086  }
0x1c: {  	p1 =	slt.u32 s9, $0xF7A;
	s5 =	simm.s32 @!p2 $0x0  }
0x1d: {  	s5 =	simm.s32 @p1 $0x1;
	p0 =	seq.s32 s7, s2  }
0x1e: {  	s7 =	smul.u32 @!p0 $0xF7A, s2;
	p2 =	seq.s32 @!p0 s5, $0x0  }
0x1f: {  	s9 =	smul.u32 $0xF7A, s1;
	s8 =	simm.s32 @!p0 $0x1BF5;
	p2 =	por !p2, p0  }
0x20: {  	[sflag:s8] =	ssyncset.s32 @!p0 $0xFFFFF086;
	s6 =	sadd.s32 @!p0 s3, s7;
	s7 =	simm.s32 @!p0 $0x108  }
0x21: {  	s3 =	sadd.s32 s3, s9;
	s6 =	sadd.s32 @!p0 $0x88, s6;
	s7 =	simm.s32 @p2 $0x1082  }
0x22: {  	[simem:s7], [sflag:s8] =	dma.local @!p0 [hbm:s6], $0xF7A  }
0x23: {  	s9 =	sor.u32 $0xD0000000, s2;
	s6 =	simm.s32 $0x108;
	_ =	swait.ge @!p0 [sflag:s8], $0x0  }
0x24: {  	s3 =	sadd.s32 $0x88, s3;
	s6 =	simm.s32 @!p1 $0x1082;
	[sflag:s4] =	ssyncset.s32 $0xFFFFF086  }
0x25: {  	[simem:s6], [sflag:s4] =	dma.local [hbm:s3], $0xF7A  }
0x26: {  	[smem:$0x3F9D] =	sst s1;
	(tag) =	ssettag s2;
	_ =	strace s9  }
0x27: {  	s1 =	sld [smem:$0x3FAD]  }
0x28: {  	s2 =	sld [smem:$0x3FAE]  }
0x29: {  	s4 =	sld [smem:$0x3FB0]  }
0x2a: {  	p0 =	seq.s32 s5, $0x0;
	s5 =	sld [smem:$0x3FB1]  }
0x2b: {  	s6 =	sld [smem:$0x3FB2]  }
0x2c: {  	s7 =	sld [smem:$0x3FB3]  }
0x2d: {  	s3 =	simm.s32 $0x108;
	s8 =	sld [smem:$0x3FB4]  }
0x2e: {  	s3 =	simm.s32 @!p0 $0x1082;
	s9 =	sld [smem:$0x3FB5]  }
0x2f: {  	lr =	sadd.s32 s0, s3;
	s0 =	sld [smem:$0x3FAC]  }
0x30: {  	s3 =	sld [smem:$0x3FAF]  }
0x31: {  	[smem:$0x3FB8] =	sst s10  }
0x32: {  	s10 =	sld [smem:$0x3FB6];
	_ =	sdelay $0x3  }
0x33: {  	p0 =	seq.s32 s10, $0x1;
	s10 =	sld [smem:$0x3FB8];
	_ =	sdelay $0x3  }
0x34: {  	[smem:$0x3FB8] =	sst s10  }
0x35: {  	s10 =	sld [smem:$0x3FB7];
	_ =	sdelay $0x3  }
0x36: {  	p1 =	seq.s32 s10, $0x1;
	s10 =	sld [smem:$0x3FB8];
	_ =	sdelay $0x3  }
0x37: {  	[smem:$0x3FB8] =	sst s10  }
0x38: {  	s10 =	sld [smem:$0x3FB9]  }
0x39: {  	_ = 	snop;
	(pc) =	sbr.ind lr, $3  }
0x3a: {  	_ = 	snop  }
0x3b: {  	_ = 	snop  }
0x3c: {  	p2 =	seq.s32 s10, $0x1;
	s10 =	sld [smem:$0x3FB8]  }
0x3d: {  	_ =	shalt  }
0x3e: {  	_ =	shalt  }
0x3f: {  	_ =	shalt  }
0x40: {  	_ =	shalt  }
0x41: {  	_ =	shalt  }
0x42: {  	_ =	shalt  }
0x43: {  	_ =	shalt  }
0x44: {  	_ =	shalt  }
0x45: {  	_ =	shalt  }
0x46: {  	_ =	shalt  }
0x47: {  	_ =	shalt  }
0x48: {  	_ =	shalt  }
0x49: {  	_ =	shalt  }
0x4a: {  	_ =	shalt  }
0x4b: {  	_ =	shalt  }
0x4c: {  	_ =	shalt  }
0x4d: {  	_ =	shalt  }
0x4e: {  	_ =	shalt  }
0x4f: {  	_ =	shalt  }
0x50: {  	_ =	shalt  }
0x51: {  	_ =	shalt  }
0x52: {  	_ =	shalt  }
0x53: {  	_ =	shalt  }
0x54: {  	_ =	shalt  }
0x55: {  	_ =	shalt  }
0x56: {  	_ =	shalt  }
0x57: {  	_ =	shalt  }
0x58: {  	_ =	shalt  }
0x59: {  	_ =	shalt  }
0x5a: {  	_ =	shalt  }
0x5b: {  	_ =	shalt  }
0x5c: {  	_ =	shalt  }
0x5d: {  	_ =	shalt  }
0x5e: {  	_ =	shalt  }
0x5f: {  	_ =	shalt  }
0x60: {  	_ =	shalt  }
0x61: {  	_ =	shalt  }
0x62: {  	_ =	shalt  }
0x63: {  	_ =	shalt  }
0x64: {  	_ =	shalt  }
0x65: {  	_ =	shalt  }
0x66: {  	_ =	shalt  }
0x67: {  	_ =	shalt  }
0x68: {  	_ =	shalt  }
0x69: {  	_ =	shalt  }
0x6a: {  	_ =	shalt  }
0x6b: {  	_ =	shalt  }
0x6c: {  	_ =	shalt  }
0x6d: {  	_ =	shalt  }
0x6e: {  	_ =	shalt  }
0x6f: {  	_ =	shalt  }
0x70: {  	_ =	shalt  }
0x71: {  	_ =	shalt  }
0x72: {  	_ =	shalt  }
0x73: {  	_ =	shalt  }
0x74: {  	_ =	shalt  }
0x75: {  	_ =	shalt  }
0x76: {  	_ =	shalt  }
0x77: {  	_ =	shalt  }
0x78: {  	_ =	shalt  }
0x79: {  	_ =	shalt  }
0x7a: {  	_ =	shalt  }
0x7b: {  	_ =	shalt  }
0x7c: {  	_ =	shalt  }
0x7d: {  	_ =	shalt  }
0x7e: {  	_ =	shalt  }
0x7f: {  	_ =	shalt  }
0x80: {  	_ =	shalt  }
0x81: {  	_ =	shalt  }
0x82: {  	_ =	shalt  }
0x83: {  	_ =	shalt  }
0x84: {  	_ =	shalt  }
0x85: {  	_ =	shalt  }
0x86: {  	_ =	shalt  }
0x87: {  	_ =	shalt  }
.Lfunc_end0:
.L_simem_size_0:
called_computation_lowered:
.L_overlay_start_0:
0x88: {  	s2 =	sld [smem:$0x3FD9]  }
0x89: {  	s3 =	sld [smem:$0x3FFE];
	_ =	sdelay $0x1  }
0x8a: {  	s1 =	srdreg.scid  }
0x8b: {  	s0 =	sand.u32 $0x1, s1  }
0x8c: {  	s17 =	sshll.u32 s0, $0xA;
	s2 =	sadd.s32 s3, s2  }
0x8d: {  	s2 =	sadd.s32 s2, s17  }
0x8e: {  	[smem:$0x3FC4] =	sst s2  }
0x8f: {  	_ = 	snop  }
0x90: {  	s2 =	sld [smem:$0x3FC7]  }
0x91: {  	s18 =	sld [smem:$0x3FC6]  }
0x92: {  	s4 =	sld [smem:$0x3FD0];
	(tm) =	ssettm $0x1  }
0x93: {  	s5 =	sld [smem:$0x3FFB];
	_ =	sdelay $0x3  }
0x94: {  	_ =	strace s5  }
0x95: {  	s5 =	sld [smem:$0x3FFC];
	_ =	sdelay $0x3  }
0x96: {  	_ =	strace s5  }
0x97: {  	s5 =	sld [smem:$0x3FFD];
	_ =	sdelay $0x3  }
0x98: {  	_ =	strace s5  }
0x99: {  	_ =	strace $0x8FFFFFFF  }
0x9a: {  	s19 =	sld [smem:$0x3FDB];
	_ =	sdelay $0x1  }
0x9b: {  	s6 =	simm.s32 $_scs_section_size  }
0x9c: {  	s7 =	simm.s32 $_size__tile_overlayer_lowered;
	s8 =	simm.s32 $_tile_overlayer_lowered  }
0x9d: {  	s22 =	simm.s32 $0x1BFF;
	s21 =	sshll.u32 s8, $0x1;
	s5 =	sadd.s32 s6, s19  }
0x9e: {  	s9 =	simm.s32 $0x0;
	s20 =	sshll.u32 s7, $0x1;
	s7 =	sadd.s32 s21, s5  }
0x9f: {  	[timem:s9], [sflag:s22] =	dma.local [hbm:s7], s20  }
0xa0: {  	_ =	swait.ge [sflag:s22], s20  }
0xa1: {  	s6 =	ssub.s32 $0x0, s20;
	[sflag:s22] =	ssyncset.done $0x0  }
0xa2: {  	[sflag:s22] =	ssyncadd.s32 s6;
	_ =	sdelay $0x1  }
0xa3: {  	s23 =	simm.s32 $0x1B8B  }
0xa4: {  	_ =	swait.ge [sflag:s23], $0x1  }
0xa5: {  	[sflag:s23] =	ssyncset.done $0x0  }
0xa6: {  	s25 =	simm.s32 $0x1B8E;
	s24 =	sld [smem:$0x3FFE];
	[sflag:s23] =	ssyncadd.s32 $0xFFFFFFFF  }
0xa7: {  	s26 =	simm.s32 $execute0_lowered;
	[smem:$0x3FD2] =	sst s25  }
0xa8: {  	s7 =	sshll.u32 s26, $0x1;
	_ =	strace $0x80000046;
	[dreg:$0x1] =	wrdreg $0xFFFFFFFF  }
0xa9: {  	s28 =	simm.s32 $_size_execute0_lowered;
	s5 =	sadd.s32 s5, s7;
	[dreg:$0x0] =	wrdreg $0x0  }
0xaa: {  	s7 =	sshll.u32 s28, $0x1;
	[dreg:$0x2] =	wrdreg s5  }
0xab: {  	[dreg:$0x3] =	wrdreg s7  }
0xac: {  	[dreg:$0x4] =	wrdreg $0xC0  }
0xad: {  	_ =	task [dreg:s9], $0x5FFFF  }
0xae: {  	[dreg:$0x1] =	wrdreg $0xFFFFFFFF  }
0xaf: {  	[dreg:$0x0] =	wrdreg $0x60  }
0xb0: {  	[dreg:$0x2] =	wrdreg s4  }
0xb1: {  	[dreg:$0x3] =	wrdreg s24  }
0xb2: {  	[dreg:$0x4] =	wrdreg s2  }
0xb3: {  	[dreg:$0x5] =	wrdreg s18  }
0xb4: {  	[dreg:$0x6] =	wrdreg $0x9  }
0xb5: {  	_ =	task.clear_ibuf [dreg:s9], $0x7FFFF;
	_ =	strace $0x90000046  }
0xb6: {  	s29 =	simm.s32 $0x9;
	_ =	strace $0x80000048  }
0xb7: {  	_ =	swait.ge [sflag:s29], $0x1  }
0xb8: {  	[sflag:s29] =	ssyncadd.s32 $0xFFFFFFFF  }
0xb9: {  	_ =	strace $0x90000048  }
0xba: {  	_ =	sfence  }
0xbb: {  	s30 =	sld [smem:$0x0];
	_ =	sdelay $0x2  }
0xbc: {  	s31 =	sshll.u32 s1, $0xD;
	s1 =	sshrl.u32 s1, $0x2  }
0xbd: {  	s3 =	sand.u32 $0x4000, s31;
	s1 =	sadd.s32 s1, s30  }
0xbe: {  	s0 =	sor.u32 s3, s0;
	s1 =	sshll.u32 s1, $0x11  }
0xbf: {  	s0 =	sor.u32 s1, s0  }
0xc0: {  	s0 =	sadd.s32 $0x8F2B, s0  }
0xc1: {  	[sflag:s0] =	ssyncadd.remote.s32 $0x1  }
0xc2: {  	_ =	sfence.sel $0xFFFF  }
0xc3: {  	[dreg:$0x0] =	wrdreg $0xFFFFFFFF;
	(pc) =	sbr.abs _section_cstart, $3  }
0xc4: {  	[dreg:$0x1] =	wrdreg $0xFFFFFFFF  }
0xc5: {  	_ =	task.clear_ibuf [dreg:s9], $0x2FFFF;
	_ =	strace $0x9FFFFFFF  }
0xc6: {  	(tm) =	ssettm $0x7FFFFFFF  }
0xc7: {  	_ =	shalt  }
tec
execute0_lowered:
.L_overlay_start_1:
0x0: {  	(tag) =	ssettag $0x1  }
0x1: {  	s1 =	rddreg [dreg:$0x0]  }
0x2: {  	s0 =	rddreg [dreg:$0x1]  }
0x3: {  	s2 =	srdreg.scid;
	s3 =	stileid.u32  }
0x4: {  	s5 =	simm.s32 $0x0;
	s14 =	simm.s32 $0x5;
	s18 =	simm.s32 $0x1C08  }
0x5: {  	s19 =	simm.s32 $0x1;
	s20 =	simm.s32 $0x1A00;
	s21 =	simm.s32 $0x1E00  }
0x6: {  	s22 =	simm.s32 $0x5200;
	s23 =	simm.s32 $0x8600;
	s28 =	simm.s32 $0xEE00  }
0x7: {  	s29 =	simm.s32 $0x12200;
	s30 =	simm.s32 $0x15600;
	s31 =	simm.s32 $0x18A00  }
0x8: {  	s2 =	sand.u32 $0x1, s2;
	s3 =	sshll.u32 s3, $0x1;
	[smem:$0x7FF] =	sst s5  }
0x9: {  	s6 =	sadd.s32 $0x400, s0;
	s7 =	sadd.s32 $0x800, s0;
	s3 =	sor.u32 s2, s3  }
0xa: {  	_ =	strace $0x80000047;
	[dreg:$0x5] =	wrdreg s6;
	s2 =	ssub.s32 $0x2, s2  }
0xb: {  	s4 =	smul.u32 $0xC800, s3;
	s24 =	sshrl.u32 s2, $0x1;
	s8 =	sshll.u32 s3, $0x9  }
.Ltmp0:
0xc: {  	s3 =	simm.s32 $0x0;
	s0 =	ssub.s32 s2, s24;
	(pc) =	sbr.rel .LBB2_1-.Ltmp0, $4  }
0xd: {  	s24 =	simm.s32 $0xBA00;
	s25 =	sshrl.u32 s4, $0x3;
	s0 =	smax.u32 s0, $0x1  }
0xe: {  	s11 =	sor.u32 $0x320, s4;
	s26 =	sadd.s32 s1, s25;
	[dreg:$0x8] =	wrdreg s0  }
0xf: {  	s12 =	sor.u32 $0x4B0, s4;
	[dreg:$0x6] =	wrdreg s26;
	s2 =	sadd.s32 $0x32, s26  }
0x10: {  	s25 =	simm.s32 $0x2;
	s26 =	simm.s32 $0x1C00;
	[dreg:$0x7] =	wrdreg s2  }
.LBB2_10:
0x11: {  	s0 =	simm.s32 $0x3  }
0x12: {  	_ =	swait.ge [sflag:s0], $0xC800  }
0x13: {  	[sflag:s0] =	ssyncset.done $0x0  }
0x14: {  	s2 =	simm.s32 $0x4;
	[sflag:s0] =	ssyncadd.s32 $0xFFFF3800  }
0x15: {  	_ =	swait.ge [sflag:s2], $0xC800  }
0x16: {  	s3 =	sadd.s32 $0x1, s3;
	s17 =	rddreg [dreg:$0x8]  }
0x17: {  	p0 =	sne.s32 s3, s17  }
.Ltmp1:
0x18: {  	_ = 	snop;
	(pc) =	sbr.rel @!p0 .LBB2_11-.Ltmp1, $3  }
0x19: {  	_ =	sdelay $0x1  }
0x1a: {  	[sflag:s2] =	ssyncset.done $0x0  }
0x1b: {  	[sflag:s2] =	ssyncadd.s32 $0xFFFF3800  }
.LBB2_1:
0x1c: {  	s0 =	rddreg [dreg:$0x5]  }
0x1d: {  	[tilespmem:s5], [sflag:$0x5] =	stream.linear.gather [hbm4b:s0+s5], $0x1900, $0x38;
	[tilespmem:$0x1BE00] =	vst v63  }
0x1e: {  	_ =	swait.ge [sflag:s14], $0x1900  }
0x1f: {  	[sflag:s14] =	ssyncset.done $0x0  }
0x20: {  	[sflag:s14] =	ssyncadd.s32 $0xFFFFE700  }
0x21: {  	s2 =	simm.s32 $0x1900;
	s15 =	rddreg [dreg:$0x2]  }
0x22: {  	[tilespmem:s2], [sflag:$0x5] =	stream.linear.gather [hbm4b:s15+s5], $0x80, $0x38;
	[tilespmem:$0x1BE00] =	vst v63  }
0x23: {  	_ =	swait.ge [sflag:s14], $0x80  }
0x24: {  	[sflag:s14] =	ssyncset.done $0x0  }
0x25: {  	[sflag:s14] =	ssyncadd.s32 $0xFFFFFF80  }
0x26: {  	s17 =	simm.s32 $0x1980;
	s16 =	rddreg [dreg:$0x3]  }
0x27: {  	[tilespmem:s17], [sflag:$0x5] =	stream.linear.gather [hbm4b:s16+s5], $0x80, $0x38;
	[tilespmem:$0x1BE00] =	vst v63  }
0x28: {  	_ =	swait.ge [sflag:s14], $0x80  }
0x29: {  	[sflag:s14] =	ssyncset.done $0x0  }
0x2a: {  	[sflag:s14] =	ssyncadd.s32 $0xFFFFFF80  }
0x2b: {  	v5 =	vld [tilespmem:$0x1980]  }
0x2c: {  	v6 =	vld [tilespmem:$0x1990]  }
0x2d: {  	v4 =	vld [tilespmem:$0x19A0]  }
0x2e: {  	v7 =	vld [tilespmem:$0x19B0]  }
0x2f: {  	v0 =	vld [tilespmem:$0x1900]  }
0x30: {  	v1 =	vld [tilespmem:$0x1910]  }
0x31: {  	v2 =	vld [tilespmem:$0x1920]  }
0x32: {  	s2 =	simm.s32 $0x0;
	v3 =	vld [tilespmem:$0x1930]  }
0x33: {  	v9 =	vld [tilespmem:s2+$0x30]  }
0x34: {  	v10 =	vld [tilespmem:s2+$0x0]  }
0x35: {  	v11 =	vld [tilespmem:s2+$0x10]  }
0x36: {  	v8 =	vld [tilespmem:s2+$0x20]  }
0x37: {  	s4 =	simm.s32 $0x100  }
.LBB2_2:
0x38: {  	s6 =	sshra.s32 s4, $0x2;
	p0 =	sne.s32 s4, $0x6300;
	s4 =	sadd.s32 $0x100, s4;
	v12 =	vadd.f32 v9, v7  }
.Ltmp2:
0x39: {  	v9 =	vld [tilespmem:s6+$0x30];
	v13 =	vadd.f32 v10, v5;
	(pc) =	sbr.rel @p0 .LBB2_2-.Ltmp2, $4  }
0x3a: {  	v10 =	vld [tilespmem:s6+$0x0];
	v14 =	vadd.f32 v11, v6;
	[tilespmem:s2+$0x30] =	vst v12  }
0x3b: {  	v11 =	vld [tilespmem:s6+$0x10];
	[tilespmem:s2+$0x0] =	vst v13;
	v12 =	vadd.f32 v8, v4  }
0x3c: {  	v8 =	vld [tilespmem:s6+$0x20];
	[tilespmem:s2+$0x10] =	vst v14  }
0x3d: {  	[tilespmem:s2+$0x20] =	vst v12;
	s2 =	smov.u32 s6  }
0x3e: {  	v7 =	vadd.f32 v9, v7  }
0x3f: {  	v5 =	vadd.f32 v10, v5  }
0x40: {  	v6 =	vadd.f32 v11, v6;
	[tilespmem:s2+$0x30] =	vst v7  }
0x41: {  	[tilespmem:s2+$0x0] =	vst v5;
	v4 =	vadd.f32 v8, v4  }
0x42: {  	[tilespmem:s2+$0x10] =	vst v6  }
0x43: {  	[tilespmem:s2+$0x20] =	vst v4  }
0x44: {  	s4 =	simm.s32 $0x0;
	s16 =	simm.s32 $0x1A08;
	s0 =	rddreg [dreg:$0x6]  }
0x45: {  	[tilespmem:s16], [sflag:$0x1] =	stream.linear.gather [hbm4b:s0+s4], $0x190, $0x38;
	[tilespmem:$0x1BE00] =	vst v63  }
0x46: {  	s17 =	rddreg [dreg:$0x7]  }
0x47: {  	[tilespmem:s18], [sflag:$0x2] =	stream.linear.gather [hbm4b:s17+s4], $0x190, $0x38;
	[tilespmem:$0x1BE00] =	vst v63  }
.LBB2_4:
0x48: {  	s2 =	simm.s32 $0x8  }
0x49: {  	v4 =	vmov s2  }
0x4a: {  	v4 =	vand.u32 $0xFFFFFFFE, v4  }
0x4b: {  	_ =	swait.ge [sflag:s19], $0x190;
	v4 =	vbroadcast v4, $0x0  }
0x4c: {  	p0 =	seq.s32 s4, $0x0;
	s17 =	simm.s32 $0x9;
	[sflag:s19] =	ssyncset.done $0x0  }
0x4d: {  	s6 =	simm.s32 @!p0 $0x3;
	v5 =	vmov s17;
	[sflag:s19] =	ssyncadd.s32 $0xFFFFFE70  }
0x4e: {  	_ =	swait.ge @!p0 [sflag:s6], $0xC800  }
0x4f: {  	[sflag:s6] =	ssyncset.done @!p0 $0x0  }
0x50: {  	[sflag:s6] =	ssyncadd.s32 @!p0 $0xFFFF3800  }
0x51: {  	v6 =	vld.idx.msk [tilespmem:v4+s20+$0x0], $0xffff  }
0x52: {  	s0 =	simm.s32 $0x20;
	v8 =	vld.idx.msk [tilespmem:v5+s20+$0x0], $0xffff  }
0x53: {  	v18 =	vld [tilespmem:s0+$0xFFFFFFE0]  }
0x54: {  	v16 =	vld [tilespmem:s0+$0xFFFFFFF0]  }
0x55: {  	s9 =	simm.s32 $0x6C;
	v17 =	vld [tilespmem:s0+$0x0]  }
0x56: {  	v19 =	vld [tilespmem:s0+$0x10];
	v5 =	vmov s9;
	v4 =	vmul.f32 v6, v0  }
0x57: {  	s10 =	simm.s32 $0x40;
	v9 =	vand.u32 $0xFFFFFFFE, v5;
	v7 =	vmul.f32 v6, v1  }
0x58: {  	s9 =	sor.u32 $0x50, s10;
	v5 =	vld [tilespmem:s0+$0x20];
	v9 =	vbroadcast v9, $0x0;
	v11 =	vmul.f32 v6, v2;
	v10 =	vadd.f32 v4, v18  }
0x59: {  	s16 =	simm.s32 $0xBAB0;
	s13 =	sor.u32 $0x60, s10;
	v13 =	vmul.f32 v6, v3;
	v4 =	vld [tilespmem:s9+$0x0];
	v12 =	vadd.f32 v7, v16  }
0x5a: {  	s15 =	sor.u32 $0x70, s10;
	v6 =	vld [tilespmem:s13+$0x0];
	[tilespmem:s16+$0xFFFF6350] =	vst v10;
	v10 =	vadd.f32 v11, v17  }
0x5b: {  	v7 =	vld [tilespmem:s15+$0x0];
	v11 =	vmul.f32 v8, v0;
	[tilespmem:s16+$0xFFFF6360] =	vst v12;
	v12 =	vadd.f32 v13, v19  }
0x5c: {  	v13 =	vmul.f32 v8, v1;
	[tilespmem:s16+$0xFFFF6370] =	vst v10  }
0x5d: {  	s17 =	simm.s32 $0x6D;
	v10 =	vadd.f32 v11, v5;
	v11 =	vmul.f32 v8, v2;
	[tilespmem:s16+$0xFFFF6380] =	vst v12  }
0x5e: {  	v8 =	vmul.f32 v8, v3;
	v12 =	vadd.f32 v13, v4;
	v13 =	vmov s17;
	v9 =	vld.idx.msk [tilespmem:v9+s20+$0x0], $0xffff  }
0x5f: {  	[tilespmem:s16+$0xFFFF63D0] =	vst v10;
	v10 =	vadd.f32 v11, v6  }
0x60: {  	v8 =	vadd.f32 v8, v7;
	[tilespmem:s16+$0xFFFF63E0] =	vst v12  }
0x61: {  	s0 =	simm.s32 $0xD0;
	[tilespmem:s16+$0xFFFF63F0] =	vst v10  }
0x62: {  	v11 =	vmov s0;
	[tilespmem:s16+$0xFFFF6400] =	vst v8  }
0x63: {  	v11 =	vand.u32 $0xFFFFFFFE, v11;
	v8 =	vld.idx.msk [tilespmem:v13+s20+$0x0], $0xffff;
	v10 =	vmul.f32 v9, v0  }
0x64: {  	v11 =	vbroadcast v11, $0x0;
	v12 =	vmul.f32 v9, v1  }
0x65: {  	v13 =	vmul.f32 v9, v2;
	v9 =	vmul.f32 v9, v3;
	v10 =	vadd.f32 v10, v18  }
0x66: {  	s9 =	simm.s32 $0xA;
	v12 =	vadd.f32 v12, v16  }
0x67: {  	v15 =	vmov s9;
	v9 =	vadd.f32 v9, v19;
	[tilespmem:s16+$0xFFFF9750] =	vst v10  }
0x68: {  	s6 =	simm.s32 $0xB;
	v15 =	vand.u32 $0xFFFFFFFE, v15;
	v10 =	vadd.f32 v13, v17;
	[tilespmem:s16+$0xFFFF9760] =	vst v12;
	v13 =	vmul.f32 v8, v0  }
0x69: {  	v14 =	vmov s6;
	v15 =	vbroadcast v15, $0x0;
	[tilespmem:s16+$0xFFFF9780] =	vst v9;
	v12 =	vmul.f32 v8, v1  }
0x6a: {  	s10 =	simm.s32 $0xD1;
	[tilespmem:s16+$0xFFFF9770] =	vst v10;
	v10 =	vadd.f32 v13, v5;
	v13 =	vmul.f32 v8, v2  }
0x6b: {  	v9 =	vadd.f32 v12, v4;
	v8 =	vmul.f32 v8, v3;
	v12 =	vld.idx.msk [tilespmem:v11+s20+$0x0], $0xffff;
	v11 =	vmov s10  }
0x6c: {  	[tilespmem:s16+$0xFFFF97D0] =	vst v10;
	v10 =	vadd.f32 v13, v6  }
0x6d: {  	[tilespmem:s16+$0xFFFF97E0] =	vst v9;
	v9 =	vadd.f32 v8, v7  }
0x6e: {  	v20 =	vld.idx.msk [tilespmem:v14+s20+$0x0], $0xffff;
	[tilespmem:s16+$0xFFFF97F0] =	vst v10  }
0x6f: {  	v14 =	vld.idx.msk [tilespmem:v15+s20+$0x0], $0xffff;
	[tilespmem:s16+$0xFFFF9800] =	vst v9  }
0x70: {  	s15 =	simm.s32 $0x134;
	s10 =	simm.s32 $0xA0;
	v21 =	vld.idx.msk [tilespmem:v11+s20+$0x0], $0xffff;
	v11 =	vmul.f32 v12, v0  }
0x71: {  	v10 =	vmov s15;
	v9 =	vld [tilespmem:s10+$0xFFFFFFE0];
	v13 =	vmul.f32 v12, v1  }
0x72: {  	v15 =	vand.u32 $0xFFFFFFFE, v10;
	v10 =	vld [tilespmem:s10+$0xFFFFFFF0];
	v25 =	vmul.f32 v12, v3;
	v22 =	vadd.f32 v11, v18  }
0x73: {  	v23 =	vmul.f32 v12, v2;
	v24 =	vbroadcast v15, $0x0;
	v11 =	vld [tilespmem:s10+$0x0];
	v13 =	vadd.f32 v13, v16  }
0x74: {  	s6 =	simm.s32 $0xC0;
	v26 =	vmul.f32 v14, v0;
	v12 =	vld [tilespmem:s10+$0x20];
	v25 =	vadd.f32 v25, v19;
	[tilespmem:s16+$0xFFFFCB50] =	vst v22  }
0x75: {  	s13 =	sor.u32 $0x50, s6;
	v15 =	vld [tilespmem:s10+$0x10];
	v22 =	vadd.f32 v23, v17;
	v23 =	vmul.f32 v14, v1;
	[tilespmem:s16+$0xFFFFCB60] =	vst v13  }
0x76: {  	s17 =	simm.s32 $0x6E;
	s0 =	sor.u32 $0x60, s6;
	v28 =	vmul.f32 v14, v2;
	v8 =	vld [tilespmem:s13+$0x0];
	v26 =	vadd.f32 v26, v9;
	[tilespmem:s16+$0xFFFFCB80] =	vst v25  }
0x77: {  	s13 =	sor.u32 $0x70, s6;
	v13 =	vld [tilespmem:s0+$0x0];
	v25 =	vmul.f32 v20, v0;
	[tilespmem:s16+$0xFFFFCB70] =	vst v22;
	v22 =	vmov s17;
	v23 =	vadd.f32 v23, v10;
	s17 =	simm.s32 $0xBBB0  }
0x78: {  	v29 =	vmul.f32 v14, v3;
	v14 =	vld [tilespmem:s13+$0x0];
	v22 =	vand.u32 $0xFFFFFFFE, v22;
	[tilespmem:s17+$0xFFFF6350] =	vst v26;
	v26 =	vadd.f32 v28, v11  }
0x79: {  	v27 =	vmul.f32 v20, v1;
	v25 =	vadd.f32 v25, v12;
	v24 =	vld.idx.msk [tilespmem:v24+s20+$0x0], $0xffff;
	v22 =	vbroadcast v22, $0x0;
	[tilespmem:s17+$0xFFFF6360] =	vst v23  }
0x7a: {  	s15 =	simm.s32 $0x6F;
	v23 =	vadd.f32 v29, v15;
	[tilespmem:s17+$0xFFFF6370] =	vst v26;
	v26 =	vmul.f32 v20, v2  }
0x7b: {  	v62 =	vmov s15;
	v27 =	vadd.f32 v27, v8;
	[tilespmem:s17+$0xFFFF63D0] =	vst v25;
	v20 =	vmul.f32 v20, v3  }
0x7c: {  	v61 =	vmul.f32 v21, v0;
	[tilespmem:s17+$0xFFFF6380] =	vst v23;
	v23 =	vmul.f32 v21, v2;
	v25 =	vadd.f32 v26, v13  }
0x7d: {  	v30 =	vmul.f32 v21, v1;
	[tilespmem:s17+$0xFFFF63E0] =	vst v27;
	v21 =	vmul.f32 v21, v3;
	v27 =	vadd.f32 v20, v14  }
0x7e: {  	v20 =	vadd.f32 v23, v6;
	v23 =	vmul.f32 v24, v0;
	v63 =	vmul.f32 v24, v2;
	[tilespmem:s17+$0xFFFF63F0] =	vst v25  }
0x7f: {  	v25 =	vmul.f32 v24, v3;
	[tilespmem:s17+$0xFFFF6400] =	vst v27;
	v27 =	vmul.f32 v24, v1;
	v24 =	vld.idx.msk [tilespmem:v22+s20+$0x0], $0xffff  }
0x80: {  	v28 =	vadd.f32 v61, v5  }
0x81: {  	s0 =	simm.s32 $0x135;
	v26 =	vadd.f32 v30, v4;
	v21 =	vadd.f32 v21, v7  }
0x82: {  	s2 =	simm.s32 $0xD2;
	[tilespmem:s16+$0xFFFFCBD0] =	vst v28;
	v22 =	vadd.f32 v23, v18;
	v25 =	vadd.f32 v25, v19;
	v19 =	vmov s0  }
0x83: {  	s9 =	simm.s32 $0x2;
	s15 =	sshll.u32 s4, $0x3;
	s13 =	simm.s32 $0x0;
	[tilespmem:s16+$0xFFFFCBE0] =	vst v26;
	v23 =	vld.idx.msk [tilespmem:v62+s20+$0x0], $0xffff;
	v17 =	vadd.f32 v63, v17;
	v18 =	vadd.f32 v27, v16  }
.LBB2_5:
0x84: {  	s0 =	sadd.s32 $0xB, s9;
	v26 =	vmul.f32 v24, v0;
	v27 =	vmov s2;
	[tilespmem:s16+$0xFFFFFF80] =	vst v25;
	v16 =	vmov v15;
	s2 =	smov.u32 s9  }
0x85: {  	v25 =	vmul.f32 v24, v1;
	v15 =	vmov s0;
	v27 =	vand.u32 $0xFFFFFFFE, v27;
	[tilespmem:s16+$0xFFFFCBF0] =	vst v20  }
0x86: {  	v20 =	vadd.f32 v26, v9;
	v26 =	vmul.f32 v24, v2;
	v27 =	vbroadcast v27, $0x0;
	[tilespmem:s16+$0xFFFFCC00] =	vst v21  }
0x87: {  	s0 =	sadd.s32 $0xA, s9;
	v21 =	vadd.f32 v25, v10;
	v24 =	vmul.f32 v24, v3;
	[tilespmem:s16+$0xFFFFFF50] =	vst v22;
	v19 =	vld.idx.msk [tilespmem:v19+s20+$0x0], $0xffff  }
0x88: {  	v22 =	vmov s0;
	v25 =	vmul.f32 v23, v0;
	[tilespmem:s17+$0xFFFF9750] =	vst v20;
	v20 =	vadd.f32 v26, v11  }
0x89: {  	v22 =	vand.u32 $0xFFFFFFFE, v22;
	[tilespmem:s17+$0xFFFF9760] =	vst v21;
	v21 =	vadd.f32 v24, v16;
	v24 =	vmul.f32 v23, v1  }
0x8a: {  	v22 =	vbroadcast v22, $0x0;
	[tilespmem:s17+$0xFFFF9770] =	vst v20;
	v20 =	vadd.f32 v25, v12;
	v25 =	vmul.f32 v23, v2  }
0x8b: {  	s0 =	sadd.s32 $0xD3, s13;
	v26 =	vld.idx.msk [tilespmem:v15+s20+$0x0], $0xffff;
	[tilespmem:s17+$0xFFFF9780] =	vst v21;
	v15 =	vadd.f32 v24, v8;
	v21 =	vmul.f32 v23, v3  }
0x8c: {  	v24 =	vmov s0;
	v23 =	vld.idx.msk [tilespmem:v27+s20+$0x0], $0xffff;
	[tilespmem:s17+$0xFFFF97D0] =	vst v20;
	v20 =	vadd.f32 v25, v13  }
0x8d: {  	s6 =	sadd.s32 $0x80, s6;
	v25 =	vmul.f32 v19, v1;
	[tilespmem:s17+$0xFFFF97E0] =	vst v15;
	v15 =	vadd.f32 v21, v14;
	v21 =	vmul.f32 v19, v0  }
0x8e: {  	s0 =	sor.u32 $0x50, s6;
	[tilespmem:s17+$0xFFFF97F0] =	vst v20;
	v20 =	vmul.f32 v19, v2;
	v19 =	vmul.f32 v19, v3  }
0x8f: {  	[tilespmem:s17+$0xFFFF9800] =	vst v15;
	v15 =	vadd.f32 v21, v5;
	v21 =	vadd.f32 v25, v4;
	v4 =	vmovc v8;
	v8 =	vld [tilespmem:s0+$0x0];
	v5 =	vmov v12  }
0x90: {  	s9 =	sadd.s32 $0x2, s9;
	v22 =	vld.idx.msk [tilespmem:v22+s20+$0x0], $0xffff;
	[tilespmem:s16+$0xFFFFFF60] =	vst v18;
	v12 =	vadd.f32 v20, v6;
	v18 =	vadd.f32 v19, v7;
	v6 =	vmov v13  }
0x91: {  	p1 =	slt.u32 s9, $0x62;
	s0 =	sadd.s32 $0x136, s13;
	v7 =	vmov v14;
	v19 =	vld.idx.msk [tilespmem:v24+s20+$0x0], $0xffff;
	[tilespmem:s16+$0xFFFFFF70] =	vst v17  }
0x92: {  	s10 =	sadd.s32 $0x80, s10;
	v14 =	vmov s0;
	v17 =	vmul.f32 v26, v0;
	v13 =	vmul.f32 v23, v0;
	[tilespmem:s16+$0xFFFFFFD0] =	vst v15  }
0x93: {  	v20 =	vmul.f32 v23, v1;
	v14 =	vand.u32 $0xFFFFFFFE, v14;
	v15 =	vmul.f32 v26, v1;
	v27 =	vld [tilespmem:s10+$0xFFFFFFE0];
	[tilespmem:s16+$0xFFFFFFE0] =	vst v21  }
0x94: {  	v24 =	vbroadcast v14, $0x0;
	v13 =	vadd.f32 v13, v9;
	v21 =	vmul.f32 v23, v2;
	v28 =	vld [tilespmem:s10+$0xFFFFFFF0];
	[tilespmem:s16+$0xFFFFFFF0] =	vst v12  }
0x95: {  	s0 =	sadd.s32 $0x6E, s2;
	v14 =	vadd.f32 v20, v10;
	v20 =	vmul.f32 v23, v3;
	v25 =	vadd.f32 v15, v8;
	v29 =	vld [tilespmem:s10+$0x0];
	[tilespmem:s16+$0x0] =	vst v18;
	s16 =	smov.u32 s17  }
0x96: {  	v12 =	vmov s0;
	v18 =	vmul.f32 v22, v0;
	v21 =	vadd.f32 v21, v11;
	v15 =	vld [tilespmem:s10+$0x10];
	[tilespmem:s17+$0xFFFFCB50] =	vst v13  }
0x97: {  	s0 =	sor.u32 $0x60, s6;
	v23 =	vmul.f32 v22, v1;
	v20 =	vadd.f32 v20, v16;
	v13 =	vand.u32 $0xFFFFFFFE, v12;
	v12 =	vld [tilespmem:s10+$0x20];
	[tilespmem:s17+$0xFFFFCB60] =	vst v14  }
0x98: {  	v30 =	vmul.f32 v22, v2;
	v31 =	vbroadcast v13, $0x0;
	v18 =	vadd.f32 v18, v27;
	v13 =	vld [tilespmem:s0+$0x0];
	s0 =	sor.u32 $0x70, s6;
	[tilespmem:s17+$0xFFFFCB70] =	vst v21  }
0x99: {  	v22 =	vmul.f32 v22, v3;
	s17 =	sadd.s32 $0x100, s17;
	v21 =	vadd.f32 v23, v28;
	v14 =	vld [tilespmem:s0+$0x0];
	s0 =	sadd.s32 $0x6F, s2;
	[tilespmem:s16+$0xFFFFCB80] =	vst v20;
	v20 =	vmul.f32 v19, v0  }
0x9a: {  	[tilespmem:s17+$0xFFFF6350] =	vst v18;
	v18 =	vadd.f32 v30, v29;
	v23 =	vmov s0;
	v30 =	vld.idx.msk [tilespmem:v24+s20+$0x0], $0xffff;
	v24 =	vmul.f32 v19, v1  }
0x9b: {  	[tilespmem:s17+$0xFFFF6360] =	vst v21;
	v21 =	vadd.f32 v22, v15;
	v22 =	vmul.f32 v19, v2;
	v19 =	vmul.f32 v19, v3  }
0x9c: {  	v32 =	vadd.f32 v20, v5;
	[tilespmem:s17+$0xFFFF6370] =	vst v18;
	v17 =	vadd.f32 v17, v12;
	v18 =	vmul.f32 v26, v2  }
0x9d: {  	v26 =	vmul.f32 v26, v3;
	v33 =	vadd.f32 v24, v4;
	[tilespmem:s17+$0xFFFF6380] =	vst v21;
	v20 =	vadd.f32 v22, v6  }
0x9e: {  	v21 =	vadd.f32 v19, v7;
	v24 =	vld.idx.msk [tilespmem:v31+s20+$0x0], $0xffff;
	[tilespmem:s17+$0xFFFF63D0] =	vst v17;
	v17 =	vadd.f32 v18, v13  }
.Ltmp3:
0x9f: {  	v18 =	vadd.f32 v26, v14;
	[tilespmem:s17+$0xFFFF63E0] =	vst v25;
	(pc) =	sbr.rel @p1 .LBB2_5-.Ltmp3, $4  }
0xa0: {  	v19 =	vmul.f32 v30, v3;
	[tilespmem:s17+$0xFFFF63F0] =	vst v17;
	v17 =	vmul.f32 v30, v0  }
0xa1: {  	s0 =	sadd.s32 $0x137, s13;
	s13 =	smov.u32 s2;
	v26 =	vmul.f32 v30, v2;
	[tilespmem:s17+$0xFFFF6400] =	vst v18;
	v18 =	vmul.f32 v30, v1  }
0xa2: {  	v25 =	vadd.f32 v19, v16;
	v19 =	vmov s0;
	v23 =	vld.idx.msk [tilespmem:v23+s20+$0x0], $0xffff;
	v22 =	vadd.f32 v17, v9;
	[tilespmem:s16+$0xFFFFCBD0] =	vst v32;
	v9 =	vmovc v27  }
0xa3: {  	s2 =	sadd.s32 $0xD2, s13;
	v17 =	vadd.f32 v26, v11;
	v11 =	vmovc v29;
	v18 =	vadd.f32 v18, v10;
	[tilespmem:s16+$0xFFFFCBE0] =	vst v33;
	v10 =	vmov v28  }
0xa4: {  	v16 =	vmul.f32 v24, v0;
	v26 =	vmov s2  }
0xa5: {  	v27 =	vmul.f32 v24, v1;
	v26 =	vand.u32 $0xFFFFFFFE, v26  }
0xa6: {  	v28 =	vmul.f32 v24, v2;
	v16 =	vadd.f32 v16, v9;
	v26 =	vbroadcast v26, $0x0  }
0xa7: {  	v24 =	vmul.f32 v24, v3;
	v27 =	vadd.f32 v27, v10  }
0xa8: {  	v58 =	vmul.f32 v23, v0;
	[tilespmem:s17+$0xFFFF9750] =	vst v16;
	v16 =	vadd.f32 v28, v11  }
0xa9: {  	v24 =	vadd.f32 v24, v15;
	[tilespmem:s17+$0xFFFF9760] =	vst v27;
	v27 =	vmul.f32 v23, v1  }
0xaa: {  	s0 =	sadd.s32 $0xD3, s13;
	v59 =	vmul.f32 v23, v2;
	v23 =	vmul.f32 v23, v3;
	[tilespmem:s17+$0xFFFF9770] =	vst v16;
	v16 =	vadd.f32 v58, v12  }
0xab: {  	[tilespmem:s17+$0xFFFF9780] =	vst v24;
	v24 =	vadd.f32 v27, v8;
	v27 =	vmov s0  }
0xac: {  	v23 =	vadd.f32 v23, v14;
	v26 =	vld.idx.msk [tilespmem:v26+s20+$0x0], $0xffff;
	[tilespmem:s17+$0xFFFF97D0] =	vst v16  }
0xad: {  	v16 =	vadd.f32 v59, v13;
	[tilespmem:s17+$0xFFFF97E0] =	vst v24  }
0xae: {  	[tilespmem:s17+$0xFFFF9800] =	vst v23  }
0xaf: {  	[tilespmem:s17+$0xFFFF97F0] =	vst v16  }
0xb0: {  	[tilespmem:s16+$0xFFFFFF80] =	vst v25;
	s2 =	sadd.s32 $0x136, s13;
	v16 =	vld.idx.msk [tilespmem:v27+s20+$0x0], $0xffff  }
0xb1: {  	[tilespmem:s16+$0xFFFFCBF0] =	vst v20;
	v23 =	vmov s2;
	v20 =	vmul.f32 v26, v0  }
0xb2: {  	[tilespmem:s16+$0xFFFFCC00] =	vst v21;
	v23 =	vand.u32 $0xFFFFFFFE, v23;
	v21 =	vmul.f32 v26, v1  }
0xb3: {  	[tilespmem:s16+$0xFFFFFF50] =	vst v22;
	v23 =	vbroadcast v23, $0x0;
	v22 =	vmul.f32 v26, v2;
	v20 =	vadd.f32 v20, v9  }
0xb4: {  	[tilespmem:s16+$0xFFFFFF60] =	vst v18;
	v18 =	vadd.f32 v21, v10;
	v21 =	vmul.f32 v26, v3  }
0xb5: {  	v19 =	vld.idx.msk [tilespmem:v19+s20+$0x0], $0xffff;
	[tilespmem:s17+$0xFFFFCB50] =	vst v20;
	v20 =	vadd.f32 v22, v11;
	v22 =	vmul.f32 v16, v0  }
0xb6: {  	[tilespmem:s17+$0xFFFFCB60] =	vst v18;
	v18 =	vadd.f32 v21, v15;
	v21 =	vmul.f32 v16, v1  }
0xb7: {  	s6 =	sadd.s32 $0x137, s13;
	[tilespmem:s17+$0xFFFFCB70] =	vst v20;
	v20 =	vmul.f32 v16, v2;
	v22 =	vadd.f32 v22, v12  }
0xb8: {  	[tilespmem:s17+$0xFFFFCB80] =	vst v18;
	v16 =	vmul.f32 v16, v3;
	v18 =	vadd.f32 v21, v8;
	v21 =	vmov s6  }
0xb9: {  	v23 =	vld.idx.msk [tilespmem:v23+s20+$0x0], $0xffff;
	v20 =	vadd.f32 v20, v13;
	[tilespmem:s17+$0xFFFFCBD0] =	vst v22  }
0xba: {  	v22 =	vmul.f32 v19, v0;
	v16 =	vadd.f32 v16, v14;
	[tilespmem:s17+$0xFFFFCBE0] =	vst v18  }
0xbb: {  	v18 =	vmul.f32 v19, v1;
	[tilespmem:s17+$0xFFFFCBF0] =	vst v20  }
0xbc: {  	v20 =	vmul.f32 v19, v2;
	v5 =	vadd.f32 v22, v5;
	[tilespmem:s17+$0xFFFFCC00] =	vst v16  }
0xbd: {  	[tilespmem:s16+$0xFFFFFF70] =	vst v17;
	v16 =	vmul.f32 v19, v3;
	v4 =	vadd.f32 v18, v4;
	v17 =	vld.idx.msk [tilespmem:v21+s20+$0x0], $0xffff  }
0xbe: {  	v6 =	vadd.f32 v20, v6;
	[tilespmem:s16+$0xFFFFFFD0] =	vst v5;
	v5 =	vmul.f32 v23, v3  }
0xbf: {  	v7 =	vadd.f32 v16, v7;
	[tilespmem:s16+$0xFFFFFFE0] =	vst v4;
	v4 =	vmul.f32 v23, v0  }
0xc0: {  	[tilespmem:s16+$0xFFFFFFF0] =	vst v6;
	v6 =	vmul.f32 v23, v1;
	v5 =	vadd.f32 v5, v15  }
0xc1: {  	[tilespmem:s16+$0x0] =	vst v7;
	v7 =	vmul.f32 v23, v2;
	v4 =	vadd.f32 v4, v9  }
0xc2: {  	v6 =	vadd.f32 v6, v10;
	[tilespmem:s17+$0xFFFFFF80] =	vst v5;
	v5 =	vmul.f32 v17, v0  }
0xc3: {  	v7 =	vadd.f32 v7, v11;
	[tilespmem:s17+$0xFFFFFF50] =	vst v4;
	v4 =	vmul.f32 v17, v1  }
0xc4: {  	v9 =	vmul.f32 v17, v2;
	v5 =	vadd.f32 v5, v12;
	[tilespmem:s17+$0xFFFFFF60] =	vst v6  }
0xc5: {  	v6 =	vmul.f32 v17, v3;
	v4 =	vadd.f32 v4, v8;
	[tilespmem:s17+$0xFFFFFF70] =	vst v7  }
0xc6: {  	s9 =	sadd.s32 s8, s15;
	v7 =	vadd.f32 v9, v13;
	[tilespmem:s17+$0xFFFFFFD0] =	vst v5  }
0xc7: {  	s0 =	smul.u32 $0x680, s9;
	v5 =	vadd.f32 v6, v14;
	[tilespmem:s17+$0xFFFFFFE0] =	vst v4  }
0xc8: {  	[tilespmem:s17+$0xFFFFFFF0] =	vst v7  }
0xc9: {  	s0 =	sadd.s32 s7, s0;
	[tilespmem:s17+$0x0] =	vst v5  }
0xca: {  	[hbm4b:s0+s5] =	stream.linear.scatter [tilespmem:s21], [sflag:$0x3], $0x3200, $0x38;
	[tilespmem:$0x1BE00] =	vst v63  }
0xcb: {  	s10 =	sadd.s32 $0x680, s0  }
0xcc: {  	[hbm4b:s10+s5] =	stream.linear.scatter [tilespmem:s22], [sflag:$0x3], $0x3200, $0x38;
	[tilespmem:$0x1BE00] =	vst v63  }
0xcd: {  	p1 =	seq.s32 s4, $0x3F;
	s13 =	sadd.s32 $0xD00, s0  }
0xce: {  	[hbm4b:s13+s5] =	stream.linear.scatter [tilespmem:s23], [sflag:$0x3], $0x3200, $0x38;
	[tilespmem:$0x1BE00] =	vst v63  }
0xcf: {  	s2 =	smul.u32 @!p1 $0x320, s4;
	s0 =	sadd.s32 $0x1380, s0  }
0xd0: {  	[hbm4b:s0+s5] =	stream.linear.scatter [tilespmem:s24], [sflag:$0x3], $0x3200, $0x38;
	[tilespmem:$0x1BE00] =	vst v63  }
0xd1: {  	s0 =	sadd.s32 @!p1 s2, s11  }
0xd2: {  	s16 =	simm.s32 $0x8;
	s0 =	sshrl.u32 @!p1 s0, $0x3  }
0xd3: {  	s9 =	simm.s32 @!p1 $0x1A08;
	s6 =	simm.s32 @!p1 $0x0;
	v4 =	vmov s16;
	s0 =	sadd.s32 @!p1 s1, s0  }
0xd4: {  	v4 =	vand.u32 $0xFFFFFFFE, v4;
	[tilespmem:s9], [sflag:$0x1] =	stream.linear.gather @!p1 [hbm4b:s0+s6], $0x190, $0x38;
	[tilespmem:$0x1BE00] =	vst v63  }
0xd5: {  	v4 =	vbroadcast v4, $0x0;
	_ =	swait.ge [sflag:s25], $0x190  }
0xd6: {  	s17 =	simm.s32 $0x9;
	[sflag:s25] =	ssyncset.done $0x0  }
0xd7: {  	v5 =	vmov s17;
	s2 =	simm.s32 @!p0 $0x4;
	[sflag:s25] =	ssyncadd.s32 $0xFFFFFE70  }
0xd8: {  	_ =	swait.ge @!p0 [sflag:s2], $0xC800  }
0xd9: {  	[sflag:s2] =	ssyncset.done @!p0 $0x0  }
0xda: {  	[sflag:s2] =	ssyncadd.s32 @!p0 $0xFFFF3800  }
0xdb: {  	v6 =	vld.idx.msk [tilespmem:v4+s26+$0x0], $0xffff  }
0xdc: {  	s6 =	simm.s32 $0x20;
	v8 =	vld.idx.msk [tilespmem:v5+s26+$0x0], $0xffff  }
0xdd: {  	v18 =	vld [tilespmem:s6+$0xFFFFFFE0]  }
0xde: {  	v16 =	vld [tilespmem:s6+$0xFFFFFFF0]  }
0xdf: {  	s9 =	simm.s32 $0x6C;
	v17 =	vld [tilespmem:s6+$0x0]  }
0xe0: {  	v19 =	vld [tilespmem:s6+$0x10];
	v5 =	vmov s9;
	v4 =	vmul.f32 v6, v0  }
0xe1: {  	s10 =	simm.s32 $0x40;
	v9 =	vand.u32 $0xFFFFFFFE, v5;
	v7 =	vmul.f32 v6, v1  }
0xe2: {  	s13 =	sor.u32 $0x50, s10;
	v5 =	vld [tilespmem:s6+$0x20];
	v9 =	vbroadcast v9, $0x0;
	v11 =	vmul.f32 v6, v2;
	v10 =	vadd.f32 v4, v18  }
0xe3: {  	s16 =	simm.s32 $0x18AB0;
	s17 =	sor.u32 $0x60, s10;
	v13 =	vmul.f32 v6, v3;
	v4 =	vld [tilespmem:s13+$0x0];
	v12 =	vadd.f32 v7, v16  }
0xe4: {  	s2 =	sor.u32 $0x70, s10;
	v6 =	vld [tilespmem:s17+$0x0];
	[tilespmem:s16+$0xFFFF6350] =	vst v10;
	v10 =	vadd.f32 v11, v17  }
0xe5: {  	v7 =	vld [tilespmem:s2+$0x0];
	v11 =	vmul.f32 v8, v0;
	[tilespmem:s16+$0xFFFF6360] =	vst v12;
	v12 =	vadd.f32 v13, v19  }
0xe6: {  	v13 =	vmul.f32 v8, v1;
	[tilespmem:s16+$0xFFFF6370] =	vst v10  }
0xe7: {  	s6 =	simm.s32 $0x6D;
	v10 =	vadd.f32 v11, v5;
	v11 =	vmul.f32 v8, v2;
	[tilespmem:s16+$0xFFFF6380] =	vst v12  }
0xe8: {  	v8 =	vmul.f32 v8, v3;
	v12 =	vadd.f32 v13, v4;
	v13 =	vmov s6;
	v9 =	vld.idx.msk [tilespmem:v9+s26+$0x0], $0xffff  }
0xe9: {  	[tilespmem:s16+$0xFFFF63D0] =	vst v10;
	v10 =	vadd.f32 v11, v6  }
0xea: {  	v8 =	vadd.f32 v8, v7;
	[tilespmem:s16+$0xFFFF63E0] =	vst v12  }
0xeb: {  	s9 =	simm.s32 $0xD0;
	[tilespmem:s16+$0xFFFF63F0] =	vst v10  }
0xec: {  	v11 =	vmov s9;
	[tilespmem:s16+$0xFFFF6400] =	vst v8  }
0xed: {  	v11 =	vand.u32 $0xFFFFFFFE, v11;
	v8 =	vld.idx.msk [tilespmem:v13+s26+$0x0], $0xffff;
	v10 =	vmul.f32 v9, v0  }
0xee: {  	v11 =	vbroadcast v11, $0x0;
	v12 =	vmul.f32 v9, v1  }
0xef: {  	v13 =	vmul.f32 v9, v2;
	v9 =	vmul.f32 v9, v3;
	v10 =	vadd.f32 v10, v18  }
0xf0: {  	s13 =	simm.s32 $0xA;
	v12 =	vadd.f32 v12, v16  }
0xf1: {  	v15 =	vmov s13;
	v9 =	vadd.f32 v9, v19;
	[tilespmem:s16+$0xFFFF9750] =	vst v10  }
0xf2: {  	s10 =	simm.s32 $0xB;
	v15 =	vand.u32 $0xFFFFFFFE, v15;
	v10 =	vadd.f32 v13, v17;
	[tilespmem:s16+$0xFFFF9760] =	vst v12;
	v13 =	vmul.f32 v8, v0  }
0xf3: {  	v14 =	vmov s10;
	v15 =	vbroadcast v15, $0x0;
	[tilespmem:s16+$0xFFFF9780] =	vst v9;
	v12 =	vmul.f32 v8, v1  }
0xf4: {  	s17 =	simm.s32 $0xD1;
	[tilespmem:s16+$0xFFFF9770] =	vst v10;
	v10 =	vadd.f32 v13, v5;
	v13 =	vmul.f32 v8, v2  }
0xf5: {  	v9 =	vadd.f32 v12, v4;
	v8 =	vmul.f32 v8, v3;
	v12 =	vld.idx.msk [tilespmem:v11+s26+$0x0], $0xffff;
	v11 =	vmov s17  }
0xf6: {  	[tilespmem:s16+$0xFFFF97D0] =	vst v10;
	v10 =	vadd.f32 v13, v6  }
0xf7: {  	[tilespmem:s16+$0xFFFF97E0] =	vst v9;
	v9 =	vadd.f32 v8, v7  }
0xf8: {  	v20 =	vld.idx.msk [tilespmem:v14+s26+$0x0], $0xffff;
	[tilespmem:s16+$0xFFFF97F0] =	vst v10  }
0xf9: {  	v14 =	vld.idx.msk [tilespmem:v15+s26+$0x0], $0xffff;
	[tilespmem:s16+$0xFFFF9800] =	vst v9  }
0xfa: {  	s10 =	simm.s32 $0xA0;
	s9 =	simm.s32 $0x134;
	v21 =	vld.idx.msk [tilespmem:v11+s26+$0x0], $0xffff;
	v11 =	vmul.f32 v12, v0  }
0xfb: {  	v10 =	vmov s9;
	v9 =	vld [tilespmem:s10+$0xFFFFFFE0];
	v13 =	vmul.f32 v12, v1  }
0xfc: {  	v15 =	vand.u32 $0xFFFFFFFE, v10;
	v10 =	vld [tilespmem:s10+$0xFFFFFFF0];
	v25 =	vmul.f32 v12, v3;
	v22 =	vadd.f32 v11, v18  }
0xfd: {  	v23 =	vmul.f32 v12, v2;
	v24 =	vbroadcast v15, $0x0;
	v11 =	vld [tilespmem:s10+$0x0];
	v13 =	vadd.f32 v13, v16  }
0xfe: {  	s6 =	simm.s32 $0xC0;
	v26 =	vmul.f32 v14, v0;
	v12 =	vld [tilespmem:s10+$0x20];
	v25 =	vadd.f32 v25, v19;
	[tilespmem:s16+$0xFFFFCB50] =	vst v22  }
0xff: {  	s2 =	sor.u32 $0x50, s6;
	v15 =	vld [tilespmem:s10+$0x10];
	v22 =	vadd.f32 v23, v17;
	v23 =	vmul.f32 v14, v1;
	[tilespmem:s16+$0xFFFFCB60] =	vst v13  }
0x100: {  	s13 =	simm.s32 $0x6E;
	v60 =	vmul.f32 v14, v2;
	s17 =	sor.u32 $0x60, s6;
	v8 =	vld [tilespmem:s2+$0x0];
	v26 =	vadd.f32 v26, v9;
	[tilespmem:s16+$0xFFFFCB80] =	vst v25  }
0x101: {  	s9 =	sor.u32 $0x70, s6;
	v13 =	vld [tilespmem:s17+$0x0];
	s17 =	simm.s32 $0x18BB0;
	v25 =	vmul.f32 v20, v0;
	[tilespmem:s16+$0xFFFFCB70] =	vst v22;
	v22 =	vmov s13;
	v23 =	vadd.f32 v23, v10  }
0x102: {  	v29 =	vmul.f32 v14, v3;
	v14 =	vld [tilespmem:s9+$0x0];
	[tilespmem:s17+$0xFFFF6350] =	vst v26;
	v22 =	vand.u32 $0xFFFFFFFE, v22;
	v26 =	vadd.f32 v60, v11  }
0x103: {  	v27 =	vmul.f32 v20, v1;
	v25 =	vadd.f32 v25, v12;
	v24 =	vld.idx.msk [tilespmem:v24+s26+$0x0], $0xffff;
	v22 =	vbroadcast v22, $0x0;
	[tilespmem:s17+$0xFFFF6360] =	vst v23  }
0x104: {  	v23 =	vadd.f32 v29, v15;
	[tilespmem:s17+$0xFFFF6370] =	vst v26;
	v26 =	vmul.f32 v20, v2  }
0x105: {  	v27 =	vadd.f32 v27, v8;
	v61 =	vmul.f32 v21, v0;
	[tilespmem:s17+$0xFFFF63D0] =	vst v25;
	v20 =	vmul.f32 v20, v3  }
0x106: {  	v30 =	vmul.f32 v21, v1;
	s13 =	simm.s32 $0x6F;
	[tilespmem:s17+$0xFFFF6380] =	vst v23;
	v23 =	vmul.f32 v21, v2;
	v25 =	vadd.f32 v26, v13  }
0x107: {  	[tilespmem:s17+$0xFFFF63E0] =	vst v27;
	v62 =	vmov s13;
	v21 =	vmul.f32 v21, v3;
	v27 =	vadd.f32 v20, v14  }
0x108: {  	v20 =	vadd.f32 v23, v6;
	v23 =	vmul.f32 v24, v0;
	v63 =	vmul.f32 v24, v2;
	[tilespmem:s17+$0xFFFF63F0] =	vst v25  }
0x109: {  	v25 =	vmul.f32 v24, v3;
	[tilespmem:s17+$0xFFFF6400] =	vst v27;
	v27 =	vmul.f32 v24, v1;
	v24 =	vld.idx.msk [tilespmem:v22+s26+$0x0], $0xffff  }
0x10a: {  	v28 =	vadd.f32 v61, v5  }
0x10b: {  	s2 =	simm.s32 $0x135;
	v26 =	vadd.f32 v30, v4;
	v21 =	vadd.f32 v21, v7  }
0x10c: {  	s15 =	sor.u32 $0x4, s15;
	[tilespmem:s16+$0xFFFFCBD0] =	vst v28;
	v22 =	vadd.f32 v23, v18;
	v25 =	vadd.f32 v25, v19;
	v19 =	vmov s2  }
0x10d: {  	s9 =	simm.s32 $0x2;
	s13 =	simm.s32 $0x0;
	[tilespmem:s16+$0xFFFFCBE0] =	vst v26;
	v23 =	vld.idx.msk [tilespmem:v62+s26+$0x0], $0xffff;
	v17 =	vadd.f32 v63, v17;
	s2 =	simm.s32 $0xD2;
	v18 =	vadd.f32 v27, v16  }
.LBB2_7:
0x10e: {  	s0 =	sadd.s32 $0xB, s9;
	v26 =	vmul.f32 v24, v0;
	v27 =	vmov s2;
	[tilespmem:s16+$0xFFFFFF80] =	vst v25;
	v16 =	vmov v15;
	s2 =	smov.u32 s9  }
0x10f: {  	v25 =	vmul.f32 v24, v1;
	v15 =	vmov s0;
	v27 =	vand.u32 $0xFFFFFFFE, v27;
	[tilespmem:s16+$0xFFFFCBF0] =	vst v20  }
0x110: {  	v20 =	vadd.f32 v26, v9;
	v26 =	vmul.f32 v24, v2;
	v27 =	vbroadcast v27, $0x0;
	[tilespmem:s16+$0xFFFFCC00] =	vst v21  }
0x111: {  	s0 =	sadd.s32 $0xA, s9;
	v21 =	vadd.f32 v25, v10;
	v24 =	vmul.f32 v24, v3;
	[tilespmem:s16+$0xFFFFFF50] =	vst v22;
	v19 =	vld.idx.msk [tilespmem:v19+s26+$0x0], $0xffff  }
0x112: {  	v22 =	vmov s0;
	v25 =	vmul.f32 v23, v0;
	[tilespmem:s17+$0xFFFF9750] =	vst v20;
	v20 =	vadd.f32 v26, v11  }
0x113: {  	v22 =	vand.u32 $0xFFFFFFFE, v22;
	[tilespmem:s17+$0xFFFF9760] =	vst v21;
	v21 =	vadd.f32 v24, v16;
	v24 =	vmul.f32 v23, v1  }
0x114: {  	v22 =	vbroadcast v22, $0x0;
	[tilespmem:s17+$0xFFFF9770] =	vst v20;
	v20 =	vadd.f32 v25, v12;
	v25 =	vmul.f32 v23, v2  }
0x115: {  	s0 =	sadd.s32 $0xD3, s13;
	v26 =	vld.idx.msk [tilespmem:v15+s26+$0x0], $0xffff;
	[tilespmem:s17+$0xFFFF9780] =	vst v21;
	v15 =	vadd.f32 v24, v8;
	v21 =	vmul.f32 v23, v3  }
0x116: {  	v24 =	vmov s0;
	v23 =	vld.idx.msk [tilespmem:v27+s26+$0x0], $0xffff;
	[tilespmem:s17+$0xFFFF97D0] =	vst v20;
	v20 =	vadd.f32 v25, v13  }
0x117: {  	s6 =	sadd.s32 $0x80, s6;
	v25 =	vmul.f32 v19, v1;
	[tilespmem:s17+$0xFFFF97E0] =	vst v15;
	v15 =	vadd.f32 v21, v14;
	v21 =	vmul.f32 v19, v0  }
0x118: {  	s0 =	sor.u32 $0x50, s6;
	[tilespmem:s17+$0xFFFF97F0] =	vst v20;
	v20 =	vmul.f32 v19, v2;
	v19 =	vmul.f32 v19, v3  }
0x119: {  	[tilespmem:s17+$0xFFFF9800] =	vst v15;
	v15 =	vadd.f32 v21, v5;
	v21 =	vadd.f32 v25, v4;
	v4 =	vmovc v8;
	v8 =	vld [tilespmem:s0+$0x0];
	v5 =	vmov v12  }
0x11a: {  	s9 =	sadd.s32 $0x2, s9;
	v22 =	vld.idx.msk [tilespmem:v22+s26+$0x0], $0xffff;
	[tilespmem:s16+$0xFFFFFF60] =	vst v18;
	v12 =	vadd.f32 v20, v6;
	v18 =	vadd.f32 v19, v7;
	v6 =	vmov v13  }
0x11b: {  	p0 =	slt.u32 s9, $0x62;
	s0 =	sadd.s32 $0x136, s13;
	v7 =	vmov v14;
	v19 =	vld.idx.msk [tilespmem:v24+s26+$0x0], $0xffff;
	[tilespmem:s16+$0xFFFFFF70] =	vst v17  }
0x11c: {  	s10 =	sadd.s32 $0x80, s10;
	v14 =	vmov s0;
	v17 =	vmul.f32 v26, v0;
	v13 =	vmul.f32 v23, v0;
	[tilespmem:s16+$0xFFFFFFD0] =	vst v15  }
0x11d: {  	v20 =	vmul.f32 v23, v1;
	v14 =	vand.u32 $0xFFFFFFFE, v14;
	v15 =	vmul.f32 v26, v1;
	v27 =	vld [tilespmem:s10+$0xFFFFFFE0];
	[tilespmem:s16+$0xFFFFFFE0] =	vst v21  }
0x11e: {  	v24 =	vbroadcast v14, $0x0;
	v13 =	vadd.f32 v13, v9;
	v21 =	vmul.f32 v23, v2;
	v28 =	vld [tilespmem:s10+$0xFFFFFFF0];
	[tilespmem:s16+$0xFFFFFFF0] =	vst v12  }
0x11f: {  	s0 =	sadd.s32 $0x6E, s2;
	v14 =	vadd.f32 v20, v10;
	v20 =	vmul.f32 v23, v3;
	v25 =	vadd.f32 v15, v8;
	v29 =	vld [tilespmem:s10+$0x0];
	[tilespmem:s16+$0x0] =	vst v18;
	s16 =	smov.u32 s17  }
0x120: {  	v12 =	vmov s0;
	v18 =	vmul.f32 v22, v0;
	v21 =	vadd.f32 v21, v11;
	v15 =	vld [tilespmem:s10+$0x10];
	[tilespmem:s17+$0xFFFFCB50] =	vst v13  }
0x121: {  	s0 =	sor.u32 $0x60, s6;
	v23 =	vmul.f32 v22, v1;
	v20 =	vadd.f32 v20, v16;
	v13 =	vand.u32 $0xFFFFFFFE, v12;
	v12 =	vld [tilespmem:s10+$0x20];
	[tilespmem:s17+$0xFFFFCB60] =	vst v14  }
0x122: {  	v30 =	vmul.f32 v22, v2;
	v31 =	vbroadcast v13, $0x0;
	v18 =	vadd.f32 v18, v27;
	v13 =	vld [tilespmem:s0+$0x0];
	s0 =	sor.u32 $0x70, s6;
	[tilespmem:s17+$0xFFFFCB70] =	vst v21  }
0x123: {  	v22 =	vmul.f32 v22, v3;
	s17 =	sadd.s32 $0x100, s17;
	v21 =	vadd.f32 v23, v28;
	v14 =	vld [tilespmem:s0+$0x0];
	s0 =	sadd.s32 $0x6F, s2;
	[tilespmem:s16+$0xFFFFCB80] =	vst v20;
	v20 =	vmul.f32 v19, v0  }
0x124: {  	[tilespmem:s17+$0xFFFF6350] =	vst v18;
	v18 =	vadd.f32 v30, v29;
	v23 =	vmov s0;
	v30 =	vld.idx.msk [tilespmem:v24+s26+$0x0], $0xffff;
	v24 =	vmul.f32 v19, v1  }
0x125: {  	[tilespmem:s17+$0xFFFF6360] =	vst v21;
	v21 =	vadd.f32 v22, v15;
	v22 =	vmul.f32 v19, v2;
	v19 =	vmul.f32 v19, v3  }
0x126: {  	v32 =	vadd.f32 v20, v5;
	[tilespmem:s17+$0xFFFF6370] =	vst v18;
	v17 =	vadd.f32 v17, v12;
	v18 =	vmul.f32 v26, v2  }
0x127: {  	v26 =	vmul.f32 v26, v3;
	v33 =	vadd.f32 v24, v4;
	[tilespmem:s17+$0xFFFF6380] =	vst v21;
	v20 =	vadd.f32 v22, v6  }
0x128: {  	v21 =	vadd.f32 v19, v7;
	v24 =	vld.idx.msk [tilespmem:v31+s26+$0x0], $0xffff;
	[tilespmem:s17+$0xFFFF63D0] =	vst v17;
	v17 =	vadd.f32 v18, v13  }
.Ltmp4:
0x129: {  	v18 =	vadd.f32 v26, v14;
	[tilespmem:s17+$0xFFFF63E0] =	vst v25;
	(pc) =	sbr.rel @p0 .LBB2_7-.Ltmp4, $4  }
0x12a: {  	v19 =	vmul.f32 v30, v3;
	[tilespmem:s17+$0xFFFF63F0] =	vst v17;
	v17 =	vmul.f32 v30, v0  }
0x12b: {  	s0 =	sadd.s32 $0x137, s13;
	s13 =	smov.u32 s2;
	v26 =	vmul.f32 v30, v2;
	[tilespmem:s17+$0xFFFF6400] =	vst v18;
	v18 =	vmul.f32 v30, v1  }
0x12c: {  	v25 =	vadd.f32 v19, v16;
	v19 =	vmov s0;
	v23 =	vld.idx.msk [tilespmem:v23+s26+$0x0], $0xffff;
	v22 =	vadd.f32 v17, v9;
	[tilespmem:s16+$0xFFFFCBD0] =	vst v32;
	v9 =	vmovc v27  }
0x12d: {  	s2 =	sadd.s32 $0xD2, s13;
	v17 =	vadd.f32 v26, v11;
	v11 =	vmovc v29;
	v18 =	vadd.f32 v18, v10;
	[tilespmem:s16+$0xFFFFCBE0] =	vst v33;
	v10 =	vmov v28  }
0x12e: {  	v16 =	vmul.f32 v24, v0;
	v26 =	vmov s2  }
0x12f: {  	v27 =	vmul.f32 v24, v1;
	v26 =	vand.u32 $0xFFFFFFFE, v26  }
0x130: {  	v28 =	vmul.f32 v24, v2;
	v16 =	vadd.f32 v16, v9;
	v26 =	vbroadcast v26, $0x0  }
0x131: {  	v63 =	vmul.f32 v24, v3;
	v27 =	vadd.f32 v27, v10  }
0x132: {  	v32 =	vadd.f32 v28, v11;
	v33 =	vmul.f32 v23, v0;
	[tilespmem:s17+$0xFFFF9750] =	vst v16  }
0x133: {  	v24 =	vadd.f32 v63, v15;
	v34 =	vmul.f32 v23, v1;
	[tilespmem:s17+$0xFFFF9760] =	vst v27  }
0x134: {  	s0 =	sadd.s32 $0xD3, s13;
	v36 =	vmul.f32 v23, v2;
	[tilespmem:s17+$0xFFFF9770] =	vst v32;
	v35 =	vadd.f32 v33, v12  }
0x135: {  	v39 =	vmov s0;
	v38 =	vmul.f32 v23, v3;
	[tilespmem:s17+$0xFFFF9780] =	vst v24;
	v37 =	vadd.f32 v34, v8  }
0x136: {  	v41 =	vadd.f32 v36, v13;
	[tilespmem:s17+$0xFFFF97D0] =	vst v35;
	v40 =	vld.idx.msk [tilespmem:v26+s26+$0x0], $0xffff  }
0x137: {  	v23 =	vadd.f32 v38, v14;
	[tilespmem:s17+$0xFFFF97E0] =	vst v37  }
0x138: {  	[tilespmem:s17+$0xFFFF97F0] =	vst v41  }
0x139: {  	[tilespmem:s17+$0xFFFF9800] =	vst v23  }
0x13a: {  	[tilespmem:s16+$0xFFFFFF80] =	vst v25;
	s10 =	sadd.s32 $0x136, s13;
	v23 =	vld.idx.msk [tilespmem:v39+s26+$0x0], $0xffff  }
0x13b: {  	[tilespmem:s16+$0xFFFFCBF0] =	vst v20;
	v43 =	vmov s10;
	v42 =	vmul.f32 v40, v0  }
0x13c: {  	[tilespmem:s16+$0xFFFFCC00] =	vst v21;
	v24 =	vand.u32 $0xFFFFFFFE, v43;
	v44 =	vmul.f32 v40, v1  }
0x13d: {  	[tilespmem:s16+$0xFFFFFF50] =	vst v22;
	v24 =	vbroadcast v24, $0x0;
	v45 =	vmul.f32 v40, v2;
	v20 =	vadd.f32 v42, v9  }
0x13e: {  	[tilespmem:s16+$0xFFFFFF60] =	vst v18;
	v16 =	vmul.f32 v40, v3;
	v46 =	vadd.f32 v44, v10  }
0x13f: {  	v19 =	vld.idx.msk [tilespmem:v19+s26+$0x0], $0xffff;
	v48 =	vmul.f32 v23, v0;
	v47 =	vadd.f32 v45, v11;
	[tilespmem:s17+$0xFFFFCB50] =	vst v20  }
0x140: {  	v49 =	vmul.f32 v23, v1;
	v16 =	vadd.f32 v16, v15;
	[tilespmem:s17+$0xFFFFCB60] =	vst v46  }
0x141: {  	s13 =	sadd.s32 $0x137, s13;
	v50 =	vmul.f32 v23, v2;
	v21 =	vadd.f32 v48, v12;
	[tilespmem:s17+$0xFFFFCB70] =	vst v47  }
0x142: {  	v52 =	vmov s13;
	v51 =	vmul.f32 v23, v3;
	v18 =	vadd.f32 v49, v8;
	[tilespmem:s17+$0xFFFFCB80] =	vst v16  }
0x143: {  	v20 =	vadd.f32 v50, v13;
	[tilespmem:s17+$0xFFFFCBD0] =	vst v21;
	v53 =	vld.idx.msk [tilespmem:v24+s26+$0x0], $0xffff  }
0x144: {  	v54 =	vmul.f32 v19, v0;
	v16 =	vadd.f32 v51, v14;
	[tilespmem:s17+$0xFFFFCBE0] =	vst v18  }
0x145: {  	v55 =	vmul.f32 v19, v1;
	[tilespmem:s17+$0xFFFFCBF0] =	vst v20  }
0x146: {  	v56 =	vmul.f32 v19, v2;
	v5 =	vadd.f32 v54, v5;
	[tilespmem:s17+$0xFFFFCC00] =	vst v16  }
0x147: {  	[tilespmem:s16+$0xFFFFFF70] =	vst v17;
	v57 =	vmul.f32 v19, v3;
	v4 =	vadd.f32 v55, v4;
	v58 =	vld.idx.msk [tilespmem:v52+s26+$0x0], $0xffff  }
0x148: {  	v6 =	vadd.f32 v56, v6;
	[tilespmem:s16+$0xFFFFFFD0] =	vst v5;
	v5 =	vmul.f32 v53, v3  }
0x149: {  	v7 =	vadd.f32 v57, v7;
	[tilespmem:s16+$0xFFFFFFE0] =	vst v4;
	v4 =	vmul.f32 v53, v0  }
0x14a: {  	[tilespmem:s16+$0xFFFFFFF0] =	vst v6;
	v59 =	vmul.f32 v53, v1;
	v5 =	vadd.f32 v5, v15  }
0x14b: {  	[tilespmem:s16+$0x0] =	vst v7;
	v60 =	vmul.f32 v53, v2;
	v4 =	vadd.f32 v4, v9  }
0x14c: {  	v6 =	vadd.f32 v59, v10;
	v61 =	vmul.f32 v58, v2;
	[tilespmem:s17+$0xFFFFFF80] =	vst v5  }
0x14d: {  	v7 =	vadd.f32 v60, v11;
	v5 =	vmul.f32 v58, v0;
	[tilespmem:s17+$0xFFFFFF50] =	vst v4  }
0x14e: {  	v4 =	vmul.f32 v58, v1;
	[tilespmem:s17+$0xFFFFFF60] =	vst v6;
	v63 =	vadd.f32 v61, v13  }
0x14f: {  	v62 =	vmul.f32 v58, v3;
	[tilespmem:s17+$0xFFFFFF70] =	vst v7;
	v5 =	vadd.f32 v5, v12  }
0x150: {  	s15 =	sadd.s32 s8, s15;
	v4 =	vadd.f32 v4, v8;
	[tilespmem:s17+$0xFFFFFFF0] =	vst v63  }
0x151: {  	s0 =	smul.u32 $0x680, s15;
	[tilespmem:s17+$0xFFFFFFD0] =	vst v5;
	v5 =	vadd.f32 v62, v14  }
0x152: {  	[tilespmem:s17+$0xFFFFFFE0] =	vst v4  }
0x153: {  	s0 =	sadd.s32 s7, s0;
	[tilespmem:s17+$0x0] =	vst v5  }
0x154: {  	[hbm4b:s0+s5] =	stream.linear.scatter [tilespmem:s28], [sflag:$0x4], $0x3200, $0x38;
	[tilespmem:$0x1BE00] =	vst v63  }
0x155: {  	s16 =	sadd.s32 $0x680, s0  }
0x156: {  	[hbm4b:s16+s5] =	stream.linear.scatter [tilespmem:s29], [sflag:$0x4], $0x3200, $0x38;
	[tilespmem:$0x1BE00] =	vst v63  }
.Ltmp5:
0x157: {  	_ = 	snop;
	(pc) =	sbr.rel @p1 .LBB2_10-.Ltmp5, $4  }
0x158: {  	s17 =	sadd.s32 $0xD00, s0  }
0x159: {  	[hbm4b:s17+s5] =	stream.linear.scatter [tilespmem:s30], [sflag:$0x4], $0x3200, $0x38;
	[tilespmem:$0x1BE00] =	vst v63  }
0x15a: {  	s0 =	sadd.s32 $0x1380, s0  }
0x15b: {  	[hbm4b:s0+s5] =	stream.linear.scatter [tilespmem:s31], [sflag:$0x4], $0x3200, $0x38;
	[tilespmem:$0x1BE00] =	vst v63  }
0x15c: {  	s0 =	smul.u32 $0x320, s4  }
.Ltmp6:
0x15d: {  	_ = 	snop;
	(pc) =	sbr.rel .LBB2_4-.Ltmp6, $4  }
0x15e: {  	s0 =	sadd.s32 s0, s12  }
0x15f: {  	s0 =	sshrl.u32 s0, $0x3  }
0x160: {  	s4 =	sadd.s32 $0x1, s4;
	s0 =	sadd.s32 s1, s0  }
0x161: {  	[tilespmem:s18], [sflag:$0x2] =	stream.linear.gather [hbm4b:s0+s5], $0x190, $0x38;
	[tilespmem:$0x1BE00] =	vst v63  }
.LBB2_11:
0x162: {  	_ =	sfence.sel $0x180000  }
0x163: {  	[bflag:$0x0] =	sbarrier.arrive $0xFFFF  }
0x164: {  	_ =	strace $0x90000047  }
0x165: {  	s0 =	stileid.u32;
	[bflag:$0x2] =	sbarrier.arrive $0xFFFF  }
0x166: {  	p0 =	sne.s32 s0, $0x0;
	s0 =	rddreg [dreg:$0x4]  }
0x167: {  	s0 =	sadd.s32 @!p0 $0x100000, s0  }
0x168: {  	[sflag:s0] =	ssyncadd.tile.s32 @!p0 $0x1;
	_ =	shalt  }
.Lfunc_end2:
_tile_overlayer_lowered:
.L_overlay_start_2:
0x169: {  	(tag) =	ssettag $0x2  }
0x16a: {  	s0 =	rddreg [dreg:$0x0];
	s2 =	stileid.u32  }
0x16b: {  	s1 =	rddreg [dreg:$0x1];
	p0 =	sne.s32 s2, $0x0  }
0x16c: {  	s3 =	rddreg [dreg:$0x2];
	[bflag:$0x3] =	sbarrier.arrive $0xFFFF;
	s2 =	simm.s32 @!p0 $0x1C05  }
0x16d: {  	[timem:s3], [sflag:s2] =	dma.local @!p0 [hbm:s0], s1  }
0x16e: {  	s0 =	simm.s32 @!p0 $0x5  }
0x16f: {  	_ =	swait.ge @!p0 [sflag:s0], s1  }
0x170: {  	s1 =	ssub.s32 @!p0 $0x0, s1;
	[sflag:s0] =	ssyncset.done @!p0 $0x0  }
0x171: {  	[sflag:s0] =	ssyncadd.s32 @!p0 s1  }
0x172: {  	[bflag:$0x3] =	sbarrier.arrive $0xFFFF  }
0x173: {  	_ =	shalt  }

</sc_bundles>
